<compile_context>
chip_gen: v7x
topology: tpu7x:2x2x1
jax: 0.10.2.dev20260603
libtpu: 0.0.44.dev20260713+nightly
codegen_flags: <defaults>
</compile_context>

<pallas_src>
import jax
import jax.numpy as jnp
from jax import lax
from jax.experimental import pallas as pl
from jax.experimental.pallas import tpu as pltpu
from jax.experimental.pallas import tpu_sc as plsc

N = 10000
E = 320000
D = 200
H = 5
F = 10
HF = H * F
G = 64
ROW = 64
TXW = 64
BB = 200
NBLK = 50
NSC = 2
NSUB = 16
NW = NSC * NSUB
EPW = E // NW
RPT = 640
RPT_LAST = N - RPT * (NSUB - 1)


def _prep_body(x_ref, w_ref, as_ref, ad_ref, e5_ref, tx_ref, tb_ref, sl_ref):
    xw = jnp.dot(x_ref[...], w_ref[...], preferred_element_type=jnp.float32)
    a_s = jnp.dot(xw, as_ref[...], preferred_element_type=jnp.float32)
    a_d = jnp.dot(xw, ad_ref[...], preferred_element_type=jnp.float32)
    al = a_s + a_d
    w_self = jnp.exp(jnp.maximum(al, 0.2 * al))
    w_exp = jnp.dot(w_self, e5_ref[...], preferred_element_type=jnp.float32)
    sl50 = w_exp * xw
    n = xw.shape[0]
    ones5 = jnp.ones((n, H), jnp.float32)
    z9 = jnp.zeros((n, 9), jnp.float32)
    z4 = jnp.zeros((n, 4), jnp.float32)
    z7 = jnp.zeros((n, 7), jnp.float32)
    tx_ref[...] = jnp.concatenate([xw, ones5, a_s, z4], axis=1)
    sl_ref[...] = 0.5 * jnp.concatenate([sl50, w_self, z9], axis=1)
    tb_ref[...] = jnp.concatenate([z7, a_d, z4], axis=1)


def _prep(x, W, AS, AD, E5):
    NB = 2000
    return pl.pallas_call(
        _prep_body,
        grid=(N // NB,),
        in_specs=[
            pl.BlockSpec((NB, D), lambda i: (i, 0)),
            pl.BlockSpec((D, HF), lambda i: (0, 0)),
            pl.BlockSpec((HF, H), lambda i: (0, 0)),
            pl.BlockSpec((HF, H), lambda i: (0, 0)),
            pl.BlockSpec((H, HF), lambda i: (0, 0)),
        ],
        out_specs=(
            pl.BlockSpec((NB, TXW), lambda i: (i, 0)),
            pl.BlockSpec((NB, 16), lambda i: (i, 0)),
            pl.BlockSpec((NB, ROW), lambda i: (i, 0)),
        ),
        out_shape=(
            jax.ShapeDtypeStruct((N, TXW), jnp.float32),
            jax.ShapeDtypeStruct((N, 16), jnp.float32),
            jax.ShapeDtypeStruct((N, ROW), jnp.float32),
        ),
    )(x, W, AS, AD, E5)


def _edge_body(tx_hbm, tb_hbm, src_hbm, dst_hbm, zero_hbm, acc_hbm,
               xr0, xr1, tb0, tb1, mm0, mm1, si_all, di_all,
               dc0, dc1, acc, sx0, sx1, sb0, sb1, sm0, sm1):
    c = lax.axis_index("c")
    s = lax.axis_index("s")
    wid = s * NSC + c
    lane = lax.iota(jnp.int32, 16)

    r0 = pl.multiple_of(s * RPT, 8)

    @pl.when(s < NSUB - 1)
    def _():
        pltpu.sync_copy(zero_hbm.at[pl.ds(r0, RPT)], acc.at[pl.ds(r0, RPT)])

    @pl.when(s == NSUB - 1)
    def _():
        pltpu.sync_copy(zero_hbm.at[pl.ds(r0, RPT_LAST)],
                        acc.at[pl.ds(r0, RPT_LAST)])

    plsc.subcore_barrier()

    hmap = []
    for j in range(4):
        k = lane + 16 * j
        q10 = (k * 205) >> 11
        q50 = (k * 41) >> 11
        hmap.append(jnp.minimum(7 + q10 - q50 * (55 - k), 15))

    base = wid * EPW
    bufs = ((xr0, tb0, mm0, dc0, sx0, sb0, sm0),
            (xr1, tb1, mm1, dc1, sx1, sb1, sm1))

    pltpu.sync_copy(src_hbm.at[pl.ds(base, EPW)], si_all)
    pltpu.sync_copy(dst_hbm.at[pl.ds(base, EPW)], di_all)

    def start_rows(kidx, xr_, tb_, sx_, sb_):
        pltpu.async_copy(tx_hbm.at[si_all.at[pl.ds(kidx * BB, BB)]], xr_, sx_)
        pltpu.async_copy(tb_hbm.at[di_all.at[pl.ds(kidx * BB, BB)]], tb_, sb_)

    start_rows(0, xr0, tb0, sx0, sb0)

    def blockpair(g, _):
        for b in (0, 1):
            xr_, tb_, mm_, dc_, sx_, sb_, sm_ = bufs[b]
            nxt = bufs[1 - b]
            k = g * 2 + b
            pltpu.make_async_copy(tx_hbm.at[si_all.at[pl.ds(0, BB)]], xr_,
                                  sx_).wait()
            pltpu.make_async_copy(tb_hbm.at[di_all.at[pl.ds(0, BB)]], tb_,
                                  sb_).wait()

            @pl.when(k >= 2)
            def _():
                pltpu.make_async_copy(mm_, acc.at[dc_], sm_).wait()

            @pl.when(k + 1 < NBLK)
            def _():
                start_rows(k + 1, nxt[0], nxt[1], nxt[4], nxt[5])

            @plsc.parallel_loop(0, BB, unroll=8)
            def _(e):
                x3 = xr_[e, pl.ds(48, 16)]
                a = x3 + tb_[e, :]
                w = jnp.exp(jnp.maximum(a, 0.2 * a))
                for j in range(4):
                    xc = x3 if j == 3 else xr_[e, pl.ds(16 * j, 16)]
                    wg = w.at[hmap[j]].get(mode="promise_in_bounds")
                    mm_[e, pl.ds(16 * j, 16)] = xc * wg

            pltpu.sync_copy(dst_hbm.at[pl.ds(base + k * BB, BB)], dc_)
            pltpu.async_copy(mm_, acc.at[dc_], sm_, add=True)
        return 0

    lax.fori_loop(0, NBLK // 2, blockpair, 0)

    pltpu.make_async_copy(mm0, acc.at[dc0], sm0).wait()
    pltpu.make_async_copy(mm1, acc.at[dc1], sm1).wait()

    plsc.subcore_barrier()

    @pl.when(s < NSUB - 1)
    def _():
        pltpu.sync_copy(acc.at[pl.ds(r0, RPT)], acc_hbm.at[c, pl.ds(r0, RPT)])

    @pl.when(s == NSUB - 1)
    def _():
        pltpu.sync_copy(acc.at[pl.ds(r0, RPT_LAST)],
                        acc_hbm.at[c, pl.ds(r0, RPT_LAST)])


def _edge(TX, TB, src, dst, zeros):
    mesh = plsc.VectorSubcoreMesh(core_axis_name="c", subcore_axis_name="s")
    f = pl.kernel(
        _edge_body,
        out_type=jax.ShapeDtypeStruct((NSC, N, ROW), jnp.float32),
        mesh=mesh,
        scratch_types=[
            pltpu.VMEM((BB, TXW), jnp.float32),
            pltpu.VMEM((BB, TXW), jnp.float32),
            pltpu.VMEM((BB, 16), jnp.float32),
            pltpu.VMEM((BB, 16), jnp.float32),
            pltpu.VMEM((BB, ROW), jnp.float32),
            pltpu.VMEM((BB, ROW), jnp.float32),
            pltpu.VMEM((EPW,), jnp.int32),
            pltpu.VMEM((EPW,), jnp.int32),
            pltpu.VMEM((BB,), jnp.int32),
            pltpu.VMEM((BB,), jnp.int32),
            pltpu.VMEM_SHARED((N, ROW), jnp.float32),
            pltpu.SemaphoreType.DMA,
            pltpu.SemaphoreType.DMA,
            pltpu.SemaphoreType.DMA,
            pltpu.SemaphoreType.DMA,
            pltpu.SemaphoreType.DMA,
            pltpu.SemaphoreType.DMA,
        ],
        compiler_params=pltpu.CompilerParams(use_tc_tiling_on_sc=False),
    )
    return f(TX, TB, src, dst, zeros)


def _post_body(acc_ref, e5_ref, b_ref, bias_ref, lw_ref, lb_ref, h_ref, y_ref):
    A = acc_ref[0] + acc_ref[1]
    den = jnp.dot(A[:, HF:HF + H], e5_ref[...],
                  preferred_element_type=jnp.float32) + 1e-16
    out = A[:, :HF] / den + bias_ref[...]
    out = jnp.where(out > 0, out, jnp.exp(jnp.minimum(out, 0.0)) - 1.0)
    gid = lax.broadcasted_iota(jnp.int32, (1, G), 1)
    P = (b_ref[...] == gid).astype(jnp.float32)
    sums = lax.dot_general(P, out, (((0,), (0,)), ((), ())),
                           preferred_element_type=jnp.float32)
    cnt = lax.dot_general(P, jnp.ones((N, 1), jnp.float32),
                          (((0,), (0,)), ((), ())),
                          preferred_element_type=jnp.float32)
    hm = sums / jnp.maximum(cnt, 1.0)
    h_ref[...] = hm
    y_ref[...] = jax.nn.sigmoid(
        jnp.dot(hm, lw_ref[...], preferred_element_type=jnp.float32)
        + lb_ref[...])


def _post(ACC, E5, batch2d, bias2d, lin_w, lin_b2d):
    return pl.pallas_call(
        _post_body,
        out_shape=(
            jax.ShapeDtypeStruct((G, HF), jnp.float32),
            jax.ShapeDtypeStruct((G, 1), jnp.float32),
        ),
    )(ACC, E5, batch2d, bias2d, lin_w, lin_b2d)


def kernel(x, edge_index, batch, W, att_src, att_dst, bias, lin_w, lin_b):
    hsel = (jnp.arange(HF)[:, None] // F == jnp.arange(H)[None, :])
    AS = jnp.where(hsel, att_src.reshape(HF)[:, None], 0.0)
    AD = jnp.where(hsel, att_dst.reshape(HF)[:, None], 0.0)
    E5 = hsel.T.astype(jnp.float32)
    TX, TB, SLH = _prep(x, W, AS, AD, E5)
    ACC = _edge(TX, TB, edge_index[0], edge_index[1], SLH)
    h, y = _post(ACC, E5, batch.reshape(N, 1), bias.reshape(1, HF),
                 lin_w, lin_b.reshape(1, 1))
    return (h, y)

# --- scband reference (transcript-rebuilt; emitter-appended) ---
"""Pipeline reference for scband-gatclassifier-30365418783084 (READ-ONLY COPY).

The authoritative reference and input builder live on the scoring server;
editing this copy changes nothing except your own understanding.
"""

import jax, jax.numpy as jnp
import numpy as np

N = 10000
E = 320000
D = 200
H = 5
F_OUT = 10
G = 64

def setup_inputs(seed: int = 0):
    key = jax.random.key(seed)
    ks = jax.random.split(key, 10)
    x = jax.random.normal(ks[0], (N, D), dtype=jnp.float32)
    edge_index = jax.random.randint(ks[1], (2, E), 0, N, dtype=jnp.int32)
    batch = jnp.sort(jax.random.randint(ks[2], (N,), 0, G, dtype=jnp.int32))
    W = jax.random.normal(ks[3], (D, H * F_OUT), dtype=jnp.float32) * (1.0 / np.sqrt(D))
    att_src = jax.random.normal(ks[4], (H, F_OUT), dtype=jnp.float32) * 0.1
    att_dst = jax.random.normal(ks[5], (H, F_OUT), dtype=jnp.float32) * 0.1
    bias = jnp.zeros((H * F_OUT,), dtype=jnp.float32)
    lin_w = jax.random.normal(ks[6], (H * F_OUT, 1), dtype=jnp.float32) * 0.1
    lin_b = jnp.zeros((1,), dtype=jnp.float32)
    return {"x": x, "edge_index": edge_index, "batch": batch, "W": W,
            "att_src": att_src, "att_dst": att_dst, "bias": bias,
            "lin_w": lin_w, "lin_b": lin_b}

def reference(x, edge_index, batch, W, att_src, att_dst, bias, lin_w, lin_b):
    # GATConv(200, 10, heads=5), PyG semantics with add_self_loops=True
    loops = jnp.arange(N, dtype=edge_index.dtype)
    src = jnp.concatenate([edge_index[0], loops])
    dst = jnp.concatenate([edge_index[1], loops])
    xw = (x @ W).reshape(N, H, F_OUT)
    a_src = jnp.sum(xw * att_src[None, :, :], axis=-1)  # [N, H]
    a_dst = jnp.sum(xw * att_dst[None, :, :], axis=-1)  # [N, H]
    alpha = a_src[src] + a_dst[dst]                      # [Et, H]
    alpha = jax.nn.leaky_relu(alpha, 0.2)
    amax = jax.ops.segment_max(alpha, dst, num_segments=N)
    alpha = jnp.exp(alpha - jax.lax.stop_gradient(amax)[dst])
    asum = jax.ops.segment_sum(alpha, dst, num_segments=N)
    alpha = alpha / (asum[dst] + 1e-16)
    msg = xw[src] * alpha[:, :, None]                    # [Et, H, F_OUT]
    out = jax.ops.segment_sum(msg, dst, num_segments=N).reshape(N, H * F_OUT) + bias
    out = jax.nn.elu(out)
    # global_mean_pool over batch
    sums = jax.ops.segment_sum(out, batch, num_segments=G)
    cnt = jax.ops.segment_sum(jnp.ones((N, 1), out.dtype), batch, num_segments=G)
    h = sums / jnp.maximum(cnt, 1.0)
    # dropout is identity in eval mode
    y = jax.nn.sigmoid(h @ lin_w + lin_b)
    return (h, y)

if __name__ == "__main__":
    import jax
    _d = setup_inputs()
    print(jax.jit(kernel)(*tuple(_d.values())))

</pallas_src>

<mosaic_0001>
#map = affine_map<(d0, d1) -> (0, 0)>
#map1 = affine_map<(d0, d1) -> (0)>
#map2 = affine_map<(d0, d1) -> (0, 0, 0)>
module attributes {stable_mosaic.version = 14 : i64} {
  func.func @_edge_body(%arg0: i32, %arg1: i32, %arg2: memref<10000x64xf32, #tpu.memory_space<hbm>>, %arg3: memref<10000x16xf32, #tpu.memory_space<hbm>>, %arg4: memref<320000xi32, #tpu.memory_space<hbm>>, %arg5: memref<320000xi32, #tpu.memory_space<hbm>>, %arg6: memref<10000x64xf32, #tpu.memory_space<hbm>>, %arg7: memref<2x10000x64xf32, #tpu.memory_space<hbm>>, %arg8: memref<200x64xf32, #tpu.memory_space<vmem>>, %arg9: memref<200x64xf32, #tpu.memory_space<vmem>>, %arg10: memref<200x16xf32, #tpu.memory_space<vmem>>, %arg11: memref<200x16xf32, #tpu.memory_space<vmem>>, %arg12: memref<200x64xf32, #tpu.memory_space<vmem>>, %arg13: memref<200x64xf32, #tpu.memory_space<vmem>>, %arg14: memref<10000xi32, #tpu.memory_space<vmem>>, %arg15: memref<10000xi32, #tpu.memory_space<vmem>>, %arg16: memref<200xi32, #tpu.memory_space<vmem>>, %arg17: memref<200xi32, #tpu.memory_space<vmem>>, %arg18: memref<10000x64xf32, #tpu.memory_space<vmem_shared>>, %arg19: memref<!tpu.dma_semaphore, #tpu.memory_space<semaphore_mem>>, %arg20: memref<!tpu.dma_semaphore, #tpu.memory_space<semaphore_mem>>, %arg21: memref<!tpu.dma_semaphore, #tpu.memory_space<semaphore_mem>>, %arg22: memref<!tpu.dma_semaphore, #tpu.memory_space<semaphore_mem>>, %arg23: memref<!tpu.dma_semaphore, #tpu.memory_space<semaphore_mem>>, %arg24: memref<!tpu.dma_semaphore, #tpu.memory_space<semaphore_mem>>) attributes {dimension_semantics = [#tpu.dimension_semantics<core_parallel>, #tpu.dimension_semantics<subcore_parallel>], iteration_bounds = array<i64: 2, 16>, scalar_prefetch = 0 : i64, scratch_operands = 17 : i64, tpu.core_type = #tpu.core_type<sc_vector_subcore>, window_params = [{transform_indices = #map}, {transform_indices = #map}, {transform_indices = #map1}, {transform_indices = #map1}, {transform_indices = #map}, {transform_indices = #map2}]} {
    %mul3A = arith.constant 2 : i32
    %mul3A_0 = arith.muli %arg1, %mul3A : i32
    %add3A = arith.addi %mul3A_0, %arg0 : i32
    %iota3A = tpu.iota {dimensions = array<i32: 0>} : vector<16xi32>
    %mul3A_1 = arith.constant 640 : i32
    %mul3A_2 = arith.muli %arg1, %mul3A_1 : i32
    %multiple_of3A = tpu.assume_multiple %mul3A_2, 8 : i32
    %lt3A = arith.constant 15 : i32
    %lt3A_3 = arith.cmpi slt, %arg1, %lt3A : i32
    %convert_element_type3A = arith.extui %lt3A_3 : i1 to i32
    %cond3A = arith.constant 0 : i32
    %cond3A_4 = arith.cmpi ne, %convert_element_type3A, %cond3A : i32
    scf.if %cond3A_4 {
      "tpu.region"() ({
        %run_scoped3A = tpu.sem_alloc : memref<!tpu.dma_semaphore, #tpu.memory_space<semaphore_mem>>
        %dma_start3A_143 = arith.constant 0 : i32
        %dma_start3A_144 = tpu.memref_slice %arg18[%multiple_of3A, %dma_start3A_143] : memref<10000x64xf32, #tpu.memory_space<vmem_shared>> -> memref<640x64xf32, #tpu.memory_space<vmem_shared>>
        %dma_start3A_145 = arith.constant 0 : i32
        %dma_start3A_146 = tpu.memref_slice %arg6[%multiple_of3A, %dma_start3A_145] : memref<10000x64xf32, #tpu.memory_space<hbm>> -> memref<640x64xf32, #tpu.memory_space<hbm>>
        tpu.enqueue_dma source(%dma_start3A_146 : memref<640x64xf32, #tpu.memory_space<hbm>>) target(%dma_start3A_144 : memref<640x64xf32, #tpu.memory_space<vmem_shared>>) target_semaphore(%run_scoped3A : memref<!tpu.dma_semaphore, #tpu.memory_space<semaphore_mem>>)
        %dma_wait3A_147 = arith.constant 0 : i32
        %dma_wait3A_148 = tpu.memref_slice %arg18[%multiple_of3A, %dma_wait3A_147] : memref<10000x64xf32, #tpu.memory_space<vmem_shared>> -> memref<640x64xf32, #tpu.memory_space<vmem_shared>>
        %dma_wait3A_149 = arith.constant 0 : i32
        %dma_wait3A_150 = tpu.memref_slice %arg6[%multiple_of3A, %dma_wait3A_149] : memref<10000x64xf32, #tpu.memory_space<hbm>> -> memref<640x64xf32, #tpu.memory_space<hbm>>
        tpu.wait_dma2 semaphore(%run_scoped3A : memref<!tpu.dma_semaphore, #tpu.memory_space<semaphore_mem>>) src(%dma_wait3A_150 : memref<640x64xf32, #tpu.memory_space<hbm>>) dst(%dma_wait3A_148 : memref<640x64xf32, #tpu.memory_space<vmem_shared>>)
        tpu.yield
      }) : () -> ()
    } else {
    }
    %eq3A = arith.constant 15 : i32
    %eq3A_5 = arith.cmpi eq, %arg1, %eq3A : i32
    %convert_element_type3A_6 = arith.extui %eq3A_5 : i1 to i32
    %cond3A_7 = arith.constant 0 : i32
    %cond3A_8 = arith.cmpi ne, %convert_element_type3A_6, %cond3A_7 : i32
    scf.if %cond3A_8 {
      "tpu.region"() ({
        %run_scoped3A = tpu.sem_alloc : memref<!tpu.dma_semaphore, #tpu.memory_space<semaphore_mem>>
        %dma_start3A_143 = arith.constant 0 : i32
        %dma_start3A_144 = tpu.memref_slice %arg18[%multiple_of3A, %dma_start3A_143] : memref<10000x64xf32, #tpu.memory_space<vmem_shared>> -> memref<400x64xf32, #tpu.memory_space<vmem_shared>>
        %dma_start3A_145 = arith.constant 0 : i32
        %dma_start3A_146 = tpu.memref_slice %arg6[%multiple_of3A, %dma_start3A_145] : memref<10000x64xf32, #tpu.memory_space<hbm>> -> memref<400x64xf32, #tpu.memory_space<hbm>>
        tpu.enqueue_dma source(%dma_start3A_146 : memref<400x64xf32, #tpu.memory_space<hbm>>) target(%dma_start3A_144 : memref<400x64xf32, #tpu.memory_space<vmem_shared>>) target_semaphore(%run_scoped3A : memref<!tpu.dma_semaphore, #tpu.memory_space<semaphore_mem>>)
        %dma_wait3A_147 = arith.constant 0 : i32
        %dma_wait3A_148 = tpu.memref_slice %arg18[%multiple_of3A, %dma_wait3A_147] : memref<10000x64xf32, #tpu.memory_space<vmem_shared>> -> memref<400x64xf32, #tpu.memory_space<vmem_shared>>
        %dma_wait3A_149 = arith.constant 0 : i32
        %dma_wait3A_150 = tpu.memref_slice %arg6[%multiple_of3A, %dma_wait3A_149] : memref<10000x64xf32, #tpu.memory_space<hbm>> -> memref<400x64xf32, #tpu.memory_space<hbm>>
        tpu.wait_dma2 semaphore(%run_scoped3A : memref<!tpu.dma_semaphore, #tpu.memory_space<semaphore_mem>>) src(%dma_wait3A_150 : memref<400x64xf32, #tpu.memory_space<hbm>>) dst(%dma_wait3A_148 : memref<400x64xf32, #tpu.memory_space<vmem_shared>>)
        tpu.yield
      }) : () -> ()
    } else {
    }
    %barrier3A = arith.constant 0 : index
    tpu.barrier barrier_id(%barrier3A)
    %add3A_9 = arith.constant 0 : i32
    %add3A_10 = vector.broadcast %add3A_9 : i32 to vector<16xi32>
    %add3A_11 = arith.addi %iota3A, %add3A_10 : vector<16xi32>
    %mul3A_12 = arith.constant 205 : i32
    %mul3A_13 = vector.broadcast %mul3A_12 : i32 to vector<16xi32>
    %mul3A_14 = arith.muli %add3A_11, %mul3A_13 : vector<16xi32>
    %shift_right_arithmetic3A = arith.constant 11 : i32
    %shift_right_arithmetic3A_15 = vector.broadcast %shift_right_arithmetic3A : i32 to vector<16xi32>
    %shift_right_arithmetic3A_16 = arith.shrsi %mul3A_14, %shift_right_arithmetic3A_15 : vector<16xi32>
    %mul3A_17 = arith.constant 41 : i32
    %mul3A_18 = vector.broadcast %mul3A_17 : i32 to vector<16xi32>
    %mul3A_19 = arith.muli %add3A_11, %mul3A_18 : vector<16xi32>
    %shift_right_arithmetic3A_20 = arith.constant 11 : i32
    %shift_right_arithmetic3A_21 = vector.broadcast %shift_right_arithmetic3A_20 : i32 to vector<16xi32>
    %shift_right_arithmetic3A_22 = arith.shrsi %mul3A_19, %shift_right_arithmetic3A_21 : vector<16xi32>
    %add3A_23 = arith.constant 7 : i32
    %add3A_24 = vector.broadcast %add3A_23 : i32 to vector<16xi32>
    %add3A_25 = arith.addi %add3A_24, %shift_right_arithmetic3A_16 : vector<16xi32>
    %sub3A = arith.constant 55 : i32
    %sub3A_26 = vector.broadcast %sub3A : i32 to vector<16xi32>
    %sub3A_27 = arith.subi %sub3A_26, %add3A_11 : vector<16xi32>
    %mul3A_28 = arith.muli %shift_right_arithmetic3A_22, %sub3A_27 : vector<16xi32>
    %sub3A_29 = arith.subi %add3A_25, %mul3A_28 : vector<16xi32>
    %min3A = arith.constant 15 : i32
    %min3A_30 = vector.broadcast %min3A : i32 to vector<16xi32>
    %min3A_31 = arith.minsi %sub3A_29, %min3A_30 : vector<16xi32>
    %add3A_32 = arith.constant 16 : i32
    %add3A_33 = vector.broadcast %add3A_32 : i32 to vector<16xi32>
    %add3A_34 = arith.addi %iota3A, %add3A_33 : vector<16xi32>
    %mul3A_35 = arith.constant 205 : i32
    %mul3A_36 = vector.broadcast %mul3A_35 : i32 to vector<16xi32>
    %mul3A_37 = arith.muli %add3A_34, %mul3A_36 : vector<16xi32>
    %shift_right_arithmetic3A_38 = arith.constant 11 : i32
    %shift_right_arithmetic3A_39 = vector.broadcast %shift_right_arithmetic3A_38 : i32 to vector<16xi32>
    %shift_right_arithmetic3A_40 = arith.shrsi %mul3A_37, %shift_right_arithmetic3A_39 : vector<16xi32>
    %mul3A_41 = arith.constant 41 : i32
    %mul3A_42 = vector.broadcast %mul3A_41 : i32 to vector<16xi32>
    %mul3A_43 = arith.muli %add3A_34, %mul3A_42 : vector<16xi32>
    %shift_right_arithmetic3A_44 = arith.constant 11 : i32
    %shift_right_arithmetic3A_45 = vector.broadcast %shift_right_arithmetic3A_44 : i32 to vector<16xi32>
    %shift_right_arithmetic3A_46 = arith.shrsi %mul3A_43, %shift_right_arithmetic3A_45 : vector<16xi32>
    %add3A_47 = arith.constant 7 : i32
    %add3A_48 = vector.broadcast %add3A_47 : i32 to vector<16xi32>
    %add3A_49 = arith.addi %add3A_48, %shift_right_arithmetic3A_40 : vector<16xi32>
    %sub3A_50 = arith.constant 55 : i32
    %sub3A_51 = vector.broadcast %sub3A_50 : i32 to vector<16xi32>
    %sub3A_52 = arith.subi %sub3A_51, %add3A_34 : vector<16xi32>
    %mul3A_53 = arith.muli %shift_right_arithmetic3A_46, %sub3A_52 : vector<16xi32>
    %sub3A_54 = arith.subi %add3A_49, %mul3A_53 : vector<16xi32>
    %min3A_55 = arith.constant 15 : i32
    %min3A_56 = vector.broadcast %min3A_55 : i32 to vector<16xi32>
    %min3A_57 = arith.minsi %sub3A_54, %min3A_56 : vector<16xi32>
    %add3A_58 = arith.constant 32 : i32
    %add3A_59 = vector.broadcast %add3A_58 : i32 to vector<16xi32>
    %add3A_60 = arith.addi %iota3A, %add3A_59 : vector<16xi32>
    %mul3A_61 = arith.constant 205 : i32
    %mul3A_62 = vector.broadcast %mul3A_61 : i32 to vector<16xi32>
    %mul3A_63 = arith.muli %add3A_60, %mul3A_62 : vector<16xi32>
    %shift_right_arithmetic3A_64 = arith.constant 11 : i32
    %shift_right_arithmetic3A_65 = vector.broadcast %shift_right_arithmetic3A_64 : i32 to vector<16xi32>
    %shift_right_arithmetic3A_66 = arith.shrsi %mul3A_63, %shift_right_arithmetic3A_65 : vector<16xi32>
    %mul3A_67 = arith.constant 41 : i32
    %mul3A_68 = vector.broadcast %mul3A_67 : i32 to vector<16xi32>
    %mul3A_69 = arith.muli %add3A_60, %mul3A_68 : vector<16xi32>
    %shift_right_arithmetic3A_70 = arith.constant 11 : i32
    %shift_right_arithmetic3A_71 = vector.broadcast %shift_right_arithmetic3A_70 : i32 to vector<16xi32>
    %shift_right_arithmetic3A_72 = arith.shrsi %mul3A_69, %shift_right_arithmetic3A_71 : vector<16xi32>
    %add3A_73 = arith.constant 7 : i32
    %add3A_74 = vector.broadcast %add3A_73 : i32 to vector<16xi32>
    %add3A_75 = arith.addi %add3A_74, %shift_right_arithmetic3A_66 : vector<16xi32>
    %sub3A_76 = arith.constant 55 : i32
    %sub3A_77 = vector.broadcast %sub3A_76 : i32 to vector<16xi32>
    %sub3A_78 = arith.subi %sub3A_77, %add3A_60 : vector<16xi32>
    %mul3A_79 = arith.muli %shift_right_arithmetic3A_72, %sub3A_78 : vector<16xi32>
    %sub3A_80 = arith.subi %add3A_75, %mul3A_79 : vector<16xi32>
    %min3A_81 = arith.constant 15 : i32
    %min3A_82 = vector.broadcast %min3A_81 : i32 to vector<16xi32>
    %min3A_83 = arith.minsi %sub3A_80, %min3A_82 : vector<16xi32>
    %add3A_84 = arith.constant 48 : i32
    %add3A_85 = vector.broadcast %add3A_84 : i32 to vector<16xi32>
    %add3A_86 = arith.addi %iota3A, %add3A_85 : vector<16xi32>
    %mul3A_87 = arith.constant 205 : i32
    %mul3A_88 = vector.broadcast %mul3A_87 : i32 to vector<16xi32>
    %mul3A_89 = arith.muli %add3A_86, %mul3A_88 : vector<16xi32>
    %shift_right_arithmetic3A_90 = arith.constant 11 : i32
    %shift_right_arithmetic3A_91 = vector.broadcast %shift_right_arithmetic3A_90 : i32 to vector<16xi32>
    %shift_right_arithmetic3A_92 = arith.shrsi %mul3A_89, %shift_right_arithmetic3A_91 : vector<16xi32>
    %mul3A_93 = arith.constant 41 : i32
    %mul3A_94 = vector.broadcast %mul3A_93 : i32 to vector<16xi32>
    %mul3A_95 = arith.muli %add3A_86, %mul3A_94 : vector<16xi32>
    %shift_right_arithmetic3A_96 = arith.constant 11 : i32
    %shift_right_arithmetic3A_97 = vector.broadcast %shift_right_arithmetic3A_96 : i32 to vector<16xi32>
    %shift_right_arithmetic3A_98 = arith.shrsi %mul3A_95, %shift_right_arithmetic3A_97 : vector<16xi32>
    %add3A_99 = arith.constant 7 : i32
    %add3A_100 = vector.broadcast %add3A_99 : i32 to vector<16xi32>
    %add3A_101 = arith.addi %add3A_100, %shift_right_arithmetic3A_92 : vector<16xi32>
    %sub3A_102 = arith.constant 55 : i32
    %sub3A_103 = vector.broadcast %sub3A_102 : i32 to vector<16xi32>
    %sub3A_104 = arith.subi %sub3A_103, %add3A_86 : vector<16xi32>
    %mul3A_105 = arith.muli %shift_right_arithmetic3A_98, %sub3A_104 : vector<16xi32>
    %sub3A_106 = arith.subi %add3A_101, %mul3A_105 : vector<16xi32>
    %min3A_107 = arith.constant 15 : i32
    %min3A_108 = vector.broadcast %min3A_107 : i32 to vector<16xi32>
    %min3A_109 = arith.minsi %sub3A_106, %min3A_108 : vector<16xi32>
    %mul3A_110 = arith.constant 10000 : i32
    %mul3A_111 = arith.muli %add3A, %mul3A_110 : i32
    "tpu.region"() ({
      %run_scoped3A = tpu.sem_alloc : memref<!tpu.dma_semaphore, #tpu.memory_space<semaphore_mem>>
      %dma_start3A_143 = tpu.memref_slice %arg4[%mul3A_111] : memref<320000xi32, #tpu.memory_space<hbm>> -> memref<10000xi32, #tpu.memory_space<hbm>>
      %dma_start3A_144 = tpu.memref_slice %arg4[%mul3A_111] : memref<320000xi32, #tpu.memory_space<hbm>> -> memref<10000xi32, #tpu.memory_space<hbm>>
      tpu.enqueue_dma source(%dma_start3A_144 : memref<10000xi32, #tpu.memory_space<hbm>>) target(%arg14 : memref<10000xi32, #tpu.memory_space<vmem>>) target_semaphore(%run_scoped3A : memref<!tpu.dma_semaphore, #tpu.memory_space<semaphore_mem>>)
      %dma_wait3A_145 = tpu.memref_slice %arg4[%mul3A_111] : memref<320000xi32, #tpu.memory_space<hbm>> -> memref<10000xi32, #tpu.memory_space<hbm>>
      %dma_wait3A_146 = tpu.memref_slice %arg4[%mul3A_111] : memref<320000xi32, #tpu.memory_space<hbm>> -> memref<10000xi32, #tpu.memory_space<hbm>>
      tpu.wait_dma2 semaphore(%run_scoped3A : memref<!tpu.dma_semaphore, #tpu.memory_space<semaphore_mem>>) src(%dma_wait3A_146 : memref<10000xi32, #tpu.memory_space<hbm>>) dst(%arg14 : memref<10000xi32, #tpu.memory_space<vmem>>)
      tpu.yield
    }) : () -> ()
    "tpu.region"() ({
      %run_scoped3A = tpu.sem_alloc : memref<!tpu.dma_semaphore, #tpu.memory_space<semaphore_mem>>
      %dma_start3A_143 = tpu.memref_slice %arg5[%mul3A_111] : memref<320000xi32, #tpu.memory_space<hbm>> -> memref<10000xi32, #tpu.memory_space<hbm>>
      %dma_start3A_144 = tpu.memref_slice %arg5[%mul3A_111] : memref<320000xi32, #tpu.memory_space<hbm>> -> memref<10000xi32, #tpu.memory_space<hbm>>
      tpu.enqueue_dma source(%dma_start3A_144 : memref<10000xi32, #tpu.memory_space<hbm>>) target(%arg15 : memref<10000xi32, #tpu.memory_space<vmem>>) target_semaphore(%run_scoped3A : memref<!tpu.dma_semaphore, #tpu.memory_space<semaphore_mem>>)
      %dma_wait3A_145 = tpu.memref_slice %arg5[%mul3A_111] : memref<320000xi32, #tpu.memory_space<hbm>> -> memref<10000xi32, #tpu.memory_space<hbm>>
      %dma_wait3A_146 = tpu.memref_slice %arg5[%mul3A_111] : memref<320000xi32, #tpu.memory_space<hbm>> -> memref<10000xi32, #tpu.memory_space<hbm>>
      tpu.wait_dma2 semaphore(%run_scoped3A : memref<!tpu.dma_semaphore, #tpu.memory_space<semaphore_mem>>) src(%dma_wait3A_146 : memref<10000xi32, #tpu.memory_space<hbm>>) dst(%arg15 : memref<10000xi32, #tpu.memory_space<vmem>>)
      tpu.yield
    }) : () -> ()
    %dma_start3A = arith.constant 0 : i32
    %dma_start3A_112 = tpu.memref_slice %arg14[%dma_start3A] : memref<10000xi32, #tpu.memory_space<vmem>> -> memref<200xi32, #tpu.memory_space<vmem>>
    %dma_start3A_113 = arith.constant 0 : i32
    %dma_start3A_114 = arith.constant 0 : i32
    %dma_start3A_115 = tpu.memref_slice %arg2[%dma_start3A_113, %dma_start3A_114] : memref<10000x64xf32, #tpu.memory_space<hbm>> -> memref<10000x64xf32, #tpu.memory_space<hbm>>
    tpu.enqueue_indirect_dma source(%dma_start3A_115 : memref<10000x64xf32, #tpu.memory_space<hbm>>) target(%arg8 : memref<200x64xf32, #tpu.memory_space<vmem>>) offsets(%dma_start3A_112 : memref<200xi32, #tpu.memory_space<vmem>>) semaphore(%arg19 : memref<!tpu.dma_semaphore, #tpu.memory_space<semaphore_mem>>)
    %dma_start3A_116 = arith.constant 0 : i32
    %dma_start3A_117 = tpu.memref_slice %arg15[%dma_start3A_116] : memref<10000xi32, #tpu.memory_space<vmem>> -> memref<200xi32, #tpu.memory_space<vmem>>
    %dma_start3A_118 = arith.constant 0 : i32
    %dma_start3A_119 = arith.constant 0 : i32
    %dma_start3A_120 = tpu.memref_slice %arg3[%dma_start3A_118, %dma_start3A_119] : memref<10000x16xf32, #tpu.memory_space<hbm>> -> memref<10000x16xf32, #tpu.memory_space<hbm>>
    tpu.enqueue_indirect_dma source(%dma_start3A_120 : memref<10000x16xf32, #tpu.memory_space<hbm>>) target(%arg10 : memref<200x16xf32, #tpu.memory_space<vmem>>) offsets(%dma_start3A_117 : memref<200xi32, #tpu.memory_space<vmem>>) semaphore(%arg21 : memref<!tpu.dma_semaphore, #tpu.memory_space<semaphore_mem>>)
    %scan3A = arith.constant 0 : i32
    %scan3A_121 = arith.constant 0 : i32
    %scan3A_122 = arith.constant 25 : i32
    %scan3A_123 = arith.addi %scan3A_121, %scan3A_122 : i32
    %scan3A_124 = arith.constant 1 : i32
    %scan3A_125 = scf.for %scan3A_143 = %scan3A_121 to %scan3A_123 step %scan3A_124 iter_args(%scan3A_144 = %scan3A) -> (i32)  : i32 {
      %mul3A_145 = arith.constant 2 : i32
      %mul3A_146 = arith.muli %scan3A_143, %mul3A_145 : i32
      %add3A_147 = arith.constant 0 : i32
      %add3A_148 = arith.addi %mul3A_146, %add3A_147 : i32
      %dma_wait3A_149 = arith.constant 0 : i32
      %dma_wait3A_150 = tpu.memref_slice %arg14[%dma_wait3A_149] : memref<10000xi32, #tpu.memory_space<vmem>> -> memref<200xi32, #tpu.memory_space<vmem>>
      %dma_wait3A_151 = arith.constant 0 : i32
      %dma_wait3A_152 = arith.constant 0 : i32
      %dma_wait3A_153 = tpu.memref_slice %arg2[%dma_wait3A_151, %dma_wait3A_152] : memref<10000x64xf32, #tpu.memory_space<hbm>> -> memref<10000x64xf32, #tpu.memory_space<hbm>>
      tpu.wait_indirect_dma semaphore(%arg19 : memref<!tpu.dma_semaphore, #tpu.memory_space<semaphore_mem>>) src(%dma_wait3A_153 : memref<10000x64xf32, #tpu.memory_space<hbm>>) dst(%arg8 : memref<200x64xf32, #tpu.memory_space<vmem>>)
      %dma_wait3A_154 = arith.constant 0 : i32
      %dma_wait3A_155 = tpu.memref_slice %arg15[%dma_wait3A_154] : memref<10000xi32, #tpu.memory_space<vmem>> -> memref<200xi32, #tpu.memory_space<vmem>>
      %dma_wait3A_156 = arith.constant 0 : i32
      %dma_wait3A_157 = arith.constant 0 : i32
      %dma_wait3A_158 = tpu.memref_slice %arg3[%dma_wait3A_156, %dma_wait3A_157] : memref<10000x16xf32, #tpu.memory_space<hbm>> -> memref<10000x16xf32, #tpu.memory_space<hbm>>
      tpu.wait_indirect_dma semaphore(%arg21 : memref<!tpu.dma_semaphore, #tpu.memory_space<semaphore_mem>>) src(%dma_wait3A_158 : memref<10000x16xf32, #tpu.memory_space<hbm>>) dst(%arg10 : memref<200x16xf32, #tpu.memory_space<vmem>>)
      %ge3A = arith.constant 2 : i32
      %ge3A_159 = arith.cmpi sge, %add3A_148, %ge3A : i32
      %convert_element_type3A_160 = arith.extui %ge3A_159 : i1 to i32
      %cond3A_161 = arith.constant 0 : i32
      %cond3A_162 = arith.cmpi ne, %convert_element_type3A_160, %cond3A_161 : i32
      scf.if %cond3A_162 {
        %dma_wait3A_214 = arith.constant 0 : i32
        %dma_wait3A_215 = arith.constant 0 : i32
        %dma_wait3A_216 = tpu.memref_slice %arg18[%dma_wait3A_214, %dma_wait3A_215] : memref<10000x64xf32, #tpu.memory_space<vmem_shared>> -> memref<10000x64xf32, #tpu.memory_space<vmem_shared>>
        tpu.wait_indirect_dma semaphore(%arg23 : memref<!tpu.dma_semaphore, #tpu.memory_space<semaphore_mem>>) src(%arg12 : memref<200x64xf32, #tpu.memory_space<vmem>>) dst(%dma_wait3A_216 : memref<10000x64xf32, #tpu.memory_space<vmem_shared>>)
      } else {
      }
      %add3A_163 = arith.constant 1 : i32
      %add3A_164 = arith.addi %add3A_148, %add3A_163 : i32
      %lt3A_165 = arith.constant 50 : i32
      %lt3A_166 = arith.cmpi slt, %add3A_164, %lt3A_165 : i32
      %convert_element_type3A_167 = arith.extui %lt3A_166 : i1 to i32
      %cond3A_168 = arith.constant 0 : i32
      %cond3A_169 = arith.cmpi ne, %convert_element_type3A_167, %cond3A_168 : i32
      scf.if %cond3A_169 {
        %add3A_214 = arith.constant 1 : i32
        %add3A_215 = arith.addi %add3A_148, %add3A_214 : i32
        %mul3A_216 = arith.constant 200 : i32
        %mul3A_217 = arith.muli %add3A_215, %mul3A_216 : i32
        %dma_start3A_218 = tpu.memref_slice %arg14[%mul3A_217] : memref<10000xi32, #tpu.memory_space<vmem>> -> memref<200xi32, #tpu.memory_space<vmem>>
        %dma_start3A_219 = arith.constant 0 : i32
        %dma_start3A_220 = arith.constant 0 : i32
        %dma_start3A_221 = tpu.memref_slice %arg2[%dma_start3A_219, %dma_start3A_220] : memref<10000x64xf32, #tpu.memory_space<hbm>> -> memref<10000x64xf32, #tpu.memory_space<hbm>>
        tpu.enqueue_indirect_dma source(%dma_start3A_221 : memref<10000x64xf32, #tpu.memory_space<hbm>>) target(%arg9 : memref<200x64xf32, #tpu.memory_space<vmem>>) offsets(%dma_start3A_218 : memref<200xi32, #tpu.memory_space<vmem>>) semaphore(%arg20 : memref<!tpu.dma_semaphore, #tpu.memory_space<semaphore_mem>>)
        %mul3A_222 = arith.constant 200 : i32
        %mul3A_223 = arith.muli %add3A_215, %mul3A_222 : i32
        %dma_start3A_224 = tpu.memref_slice %arg15[%mul3A_223] : memref<10000xi32, #tpu.memory_space<vmem>> -> memref<200xi32, #tpu.memory_space<vmem>>
        %dma_start3A_225 = arith.constant 0 : i32
        %dma_start3A_226 = arith.constant 0 : i32
        %dma_start3A_227 = tpu.memref_slice %arg3[%dma_start3A_225, %dma_start3A_226] : memref<10000x16xf32, #tpu.memory_space<hbm>> -> memref<10000x16xf32, #tpu.memory_space<hbm>>
        tpu.enqueue_indirect_dma source(%dma_start3A_227 : memref<10000x16xf32, #tpu.memory_space<hbm>>) target(%arg11 : memref<200x16xf32, #tpu.memory_space<vmem>>) offsets(%dma_start3A_224 : memref<200xi32, #tpu.memory_space<vmem>>) semaphore(%arg22 : memref<!tpu.dma_semaphore, #tpu.memory_space<semaphore_mem>>)
      } else {
      }
      %parallel_loop3A = arith.constant 0 : i32
      %parallel_loop3A_170 = arith.constant 200 : i32
      %parallel_loop3A_171 = arith.constant 1 : i32
      scf.for %parallel_loop3A_214 = %parallel_loop3A to %parallel_loop3A_170 step %parallel_loop3A_171  : i32 {
        %parallel_loop3A_215 = arith.index_cast %parallel_loop3A_214 : i32 to index
        %parallel_loop3A_216 = arith.constant 48 : index
        %parallel_loop3A_217 = tpu.vector_load %arg8[%parallel_loop3A_215, %parallel_loop3A_216] {strides = array<i32>} : memref<200x64xf32, #tpu.memory_space<vmem>>, vector<1x16xf32>,
        %parallel_loop3A_218 = vector.shape_cast %parallel_loop3A_217 : vector<1x16xf32> to vector<16xf32>
        %parallel_loop3A_219 = arith.index_cast %parallel_loop3A_214 : i32 to index
        %parallel_loop3A_220 = arith.constant 0 : index
        %parallel_loop3A_221 = tpu.vector_load %arg10[%parallel_loop3A_219, %parallel_loop3A_220] {strides = array<i32>} : memref<200x16xf32, #tpu.memory_space<vmem>>, vector<1x16xf32>,
        %parallel_loop3A_222 = vector.shape_cast %parallel_loop3A_221 : vector<1x16xf32> to vector<16xf32>
        %parallel_loop3A_223 = arith.addf %parallel_loop3A_218, %parallel_loop3A_222 : vector<16xf32>
        %parallel_loop3A_224 = arith.constant 2.000000e-01 : f32
        %parallel_loop3A_225 = vector.broadcast %parallel_loop3A_224 : f32 to vector<16xf32>
        %parallel_loop3A_226 = arith.mulf %parallel_loop3A_225, %parallel_loop3A_223 : vector<16xf32>
        %parallel_loop3A_227 = arith.maximumf %parallel_loop3A_223, %parallel_loop3A_226 : vector<16xf32>
        %parallel_loop3A_228 = math.exp %parallel_loop3A_227 : vector<16xf32>
        %parallel_loop3A_229 = arith.index_cast %parallel_loop3A_214 : i32 to index
        %parallel_loop3A_230 = arith.constant 0 : index
        %parallel_loop3A_231 = tpu.vector_load %arg8[%parallel_loop3A_229, %parallel_loop3A_230] {strides = array<i32>} : memref<200x64xf32, #tpu.memory_space<vmem>>, vector<1x16xf32>,
        %parallel_loop3A_232 = vector.shape_cast %parallel_loop3A_231 : vector<1x16xf32> to vector<16xf32>
        %parallel_loop3A_233 = arith.constant 0 : i32
        %parallel_loop3A_234 = vector.broadcast %parallel_loop3A_233 : i32 to vector<16xi32>
        %parallel_loop3A_235 = arith.cmpi slt, %min3A_31, %parallel_loop3A_234 : vector<16xi32>
        %parallel_loop3A_236 = arith.constant 16 : i32
        %parallel_loop3A_237 = vector.broadcast %parallel_loop3A_236 : i32 to vector<16xi32>
        %parallel_loop3A_238 = arith.addi %min3A_31, %parallel_loop3A_237 : vector<16xi32>
        %parallel_loop3A_239 = arith.select %parallel_loop3A_235, %parallel_loop3A_238, %min3A_31 : vector<16xi1>, vector<16xi32>
        %parallel_loop3A_240 = vector.shape_cast %parallel_loop3A_239 : vector<16xi32> to vector<16x1xi32>
        %parallel_loop3A_241 = vector.shape_cast %parallel_loop3A_240 : vector<16x1xi32> to vector<16xi32>
        %parallel_loop3A_242 = tpu.dynamic_gather %parallel_loop3A_228[%parallel_loop3A_241] in [0] : vector<16xf32>, vector<16xi32> -> vector<16xf32>
        %parallel_loop3A_243 = arith.mulf %parallel_loop3A_232, %parallel_loop3A_242 : vector<16xf32>
        %parallel_loop3A_244 = arith.index_cast %parallel_loop3A_214 : i32 to index
        %parallel_loop3A_245 = arith.constant 0 : index
        %parallel_loop3A_246 = tpu.vector_load %arg12[%parallel_loop3A_244, %parallel_loop3A_245] {strides = array<i32>} : memref<200x64xf32, #tpu.memory_space<vmem>>, vector<1x16xf32>,
        %parallel_loop3A_247 = vector.shape_cast %parallel_loop3A_246 : vector<1x16xf32> to vector<16xf32>
        %parallel_loop3A_248 = vector.shape_cast %parallel_loop3A_243 : vector<16xf32> to vector<1x16xf32>
        tpu.vector_store %arg12[%parallel_loop3A_244, %parallel_loop3A_245], %parallel_loop3A_248 {strides = array<i32>} : memref<200x64xf32, #tpu.memory_space<vmem>>, vector<1x16xf32>,
        %parallel_loop3A_249 = arith.index_cast %parallel_loop3A_214 : i32 to index
        %parallel_loop3A_250 = arith.constant 16 : index
        %parallel_loop3A_251 = tpu.vector_load %arg8[%parallel_loop3A_249, %parallel_loop3A_250] {strides = array<i32>} : memref<200x64xf32, #tpu.memory_space<vmem>>, vector<1x16xf32>,
        %parallel_loop3A_252 = vector.shape_cast %parallel_loop3A_251 : vector<1x16xf32> to vector<16xf32>
        %parallel_loop3A_253 = arith.constant 0 : i32
        %parallel_loop3A_254 = vector.broadcast %parallel_loop3A_253 : i32 to vector<16xi32>
        %parallel_loop3A_255 = arith.cmpi slt, %min3A_57, %parallel_loop3A_254 : vector<16xi32>
        %parallel_loop3A_256 = arith.constant 16 : i32
        %parallel_loop3A_257 = vector.broadcast %parallel_loop3A_256 : i32 to vector<16xi32>
        %parallel_loop3A_258 = arith.addi %min3A_57, %parallel_loop3A_257 : vector<16xi32>
        %parallel_loop3A_259 = arith.select %parallel_loop3A_255, %parallel_loop3A_258, %min3A_57 : vector<16xi1>, vector<16xi32>
        %parallel_loop3A_260 = vector.shape_cast %parallel_loop3A_259 : vector<16xi32> to vector<16x1xi32>
        %parallel_loop3A_261 = vector.shape_cast %parallel_loop3A_260 : vector<16x1xi32> to vector<16xi32>
        %parallel_loop3A_262 = tpu.dynamic_gather %parallel_loop3A_228[%parallel_loop3A_261] in [0] : vector<16xf32>, vector<16xi32> -> vector<16xf32>
        %parallel_loop3A_263 = arith.mulf %parallel_loop3A_252, %parallel_loop3A_262 : vector<16xf32>
        %parallel_loop3A_264 = arith.index_cast %parallel_loop3A_214 : i32 to index
        %parallel_loop3A_265 = arith.constant 16 : index
        %parallel_loop3A_266 = tpu.vector_load %arg12[%parallel_loop3A_264, %parallel_loop3A_265] {strides = array<i32>} : memref<200x64xf32, #tpu.memory_space<vmem>>, vector<1x16xf32>,
        %parallel_loop3A_267 = vector.shape_cast %parallel_loop3A_266 : vector<1x16xf32> to vector<16xf32>
        %parallel_loop3A_268 = vector.shape_cast %parallel_loop3A_263 : vector<16xf32> to vector<1x16xf32>
        tpu.vector_store %arg12[%parallel_loop3A_264, %parallel_loop3A_265], %parallel_loop3A_268 {strides = array<i32>} : memref<200x64xf32, #tpu.memory_space<vmem>>, vector<1x16xf32>,
        %parallel_loop3A_269 = arith.index_cast %parallel_loop3A_214 : i32 to index
        %parallel_loop3A_270 = arith.constant 32 : index
        %parallel_loop3A_271 = tpu.vector_load %arg8[%parallel_loop3A_269, %parallel_loop3A_270] {strides = array<i32>} : memref<200x64xf32, #tpu.memory_space<vmem>>, vector<1x16xf32>,
        %parallel_loop3A_272 = vector.shape_cast %parallel_loop3A_271 : vector<1x16xf32> to vector<16xf32>
        %parallel_loop3A_273 = arith.constant 0 : i32
        %parallel_loop3A_274 = vector.broadcast %parallel_loop3A_273 : i32 to vector<16xi32>
        %parallel_loop3A_275 = arith.cmpi slt, %min3A_83, %parallel_loop3A_274 : vector<16xi32>
        %parallel_loop3A_276 = arith.constant 16 : i32
        %parallel_loop3A_277 = vector.broadcast %parallel_loop3A_276 : i32 to vector<16xi32>
        %parallel_loop3A_278 = arith.addi %min3A_83, %parallel_loop3A_277 : vector<16xi32>
        %parallel_loop3A_279 = arith.select %parallel_loop3A_275, %parallel_loop3A_278, %min3A_83 : vector<16xi1>, vector<16xi32>
        %parallel_loop3A_280 = vector.shape_cast %parallel_loop3A_279 : vector<16xi32> to vector<16x1xi32>
        %parallel_loop3A_281 = vector.shape_cast %parallel_loop3A_280 : vector<16x1xi32> to vector<16xi32>
        %parallel_loop3A_282 = tpu.dynamic_gather %parallel_loop3A_228[%parallel_loop3A_281] in [0] : vector<16xf32>, vector<16xi32> -> vector<16xf32>
        %parallel_loop3A_283 = arith.mulf %parallel_loop3A_272, %parallel_loop3A_282 : vector<16xf32>
        %parallel_loop3A_284 = arith.index_cast %parallel_loop3A_214 : i32 to index
        %parallel_loop3A_285 = arith.constant 32 : index
        %parallel_loop3A_286 = tpu.vector_load %arg12[%parallel_loop3A_284, %parallel_loop3A_285] {strides = array<i32>} : memref<200x64xf32, #tpu.memory_space<vmem>>, vector<1x16xf32>,
        %parallel_loop3A_287 = vector.shape_cast %parallel_loop3A_286 : vector<1x16xf32> to vector<16xf32>
        %parallel_loop3A_288 = vector.shape_cast %parallel_loop3A_283 : vector<16xf32> to vector<1x16xf32>
        tpu.vector_store %arg12[%parallel_loop3A_284, %parallel_loop3A_285], %parallel_loop3A_288 {strides = array<i32>} : memref<200x64xf32, #tpu.memory_space<vmem>>, vector<1x16xf32>,
        %parallel_loop3A_289 = arith.constant 0 : i32
        %parallel_loop3A_290 = vector.broadcast %parallel_loop3A_289 : i32 to vector<16xi32>
        %parallel_loop3A_291 = arith.cmpi slt, %min3A_109, %parallel_loop3A_290 : vector<16xi32>
        %parallel_loop3A_292 = arith.constant 16 : i32
        %parallel_loop3A_293 = vector.broadcast %parallel_loop3A_292 : i32 to vector<16xi32>
        %parallel_loop3A_294 = arith.addi %min3A_109, %parallel_loop3A_293 : vector<16xi32>
        %parallel_loop3A_295 = arith.select %parallel_loop3A_291, %parallel_loop3A_294, %min3A_109 : vector<16xi1>, vector<16xi32>
        %parallel_loop3A_296 = vector.shape_cast %parallel_loop3A_295 : vector<16xi32> to vector<16x1xi32>
        %parallel_loop3A_297 = vector.shape_cast %parallel_loop3A_296 : vector<16x1xi32> to vector<16xi32>
        %parallel_loop3A_298 = tpu.dynamic_gather %parallel_loop3A_228[%parallel_loop3A_297] in [0] : vector<16xf32>, vector<16xi32> -> vector<16xf32>
        %parallel_loop3A_299 = arith.mulf %parallel_loop3A_218, %parallel_loop3A_298 : vector<16xf32>
        %parallel_loop3A_300 = arith.index_cast %parallel_loop3A_214 : i32 to index
        %parallel_loop3A_301 = arith.constant 48 : index
        %parallel_loop3A_302 = tpu.vector_load %arg12[%parallel_loop3A_300, %parallel_loop3A_301] {strides = array<i32>} : memref<200x64xf32, #tpu.memory_space<vmem>>, vector<1x16xf32>,
        %parallel_loop3A_303 = vector.shape_cast %parallel_loop3A_302 : vector<1x16xf32> to vector<16xf32>
        %parallel_loop3A_304 = vector.shape_cast %parallel_loop3A_299 : vector<16xf32> to vector<1x16xf32>
        tpu.vector_store %arg12[%parallel_loop3A_300, %parallel_loop3A_301], %parallel_loop3A_304 {strides = array<i32>} : memref<200x64xf32, #tpu.memory_space<vmem>>, vector<1x16xf32>,
      } {sc.loop_unroll_factor = 8 : i64, sc.parallel_access}
      %mul3A_172 = arith.constant 200 : i32
      %mul3A_173 = arith.muli %add3A_148, %mul3A_172 : i32
      %add3A_174 = arith.addi %mul3A_111, %mul3A_173 : i32
      "tpu.region"() ({
        %run_scoped3A = tpu.sem_alloc : memref<!tpu.dma_semaphore, #tpu.memory_space<semaphore_mem>>
        %dma_start3A_214 = tpu.memref_slice %arg5[%add3A_174] : memref<320000xi32, #tpu.memory_space<hbm>> -> memref<200xi32, #tpu.memory_space<hbm>>
        %dma_start3A_215 = tpu.memref_slice %arg5[%add3A_174] : memref<320000xi32, #tpu.memory_space<hbm>> -> memref<200xi32, #tpu.memory_space<hbm>>
        tpu.enqueue_dma source(%dma_start3A_215 : memref<200xi32, #tpu.memory_space<hbm>>) target(%arg16 : memref<200xi32, #tpu.memory_space<vmem>>) target_semaphore(%run_scoped3A : memref<!tpu.dma_semaphore, #tpu.memory_space<semaphore_mem>>)
        %dma_wait3A_216 = tpu.memref_slice %arg5[%add3A_174] : memref<320000xi32, #tpu.memory_space<hbm>> -> memref<200xi32, #tpu.memory_space<hbm>>
        %dma_wait3A_217 = tpu.memref_slice %arg5[%add3A_174] : memref<320000xi32, #tpu.memory_space<hbm>> -> memref<200xi32, #tpu.memory_space<hbm>>
        tpu.wait_dma2 semaphore(%run_scoped3A : memref<!tpu.dma_semaphore, #tpu.memory_space<semaphore_mem>>) src(%dma_wait3A_217 : memref<200xi32, #tpu.memory_space<hbm>>) dst(%arg16 : memref<200xi32, #tpu.memory_space<vmem>>)
        tpu.yield
      }) : () -> ()
      %dma_start3A_175 = arith.constant 0 : i32
      %dma_start3A_176 = arith.constant 0 : i32
      %dma_start3A_177 = tpu.memref_slice %arg18[%dma_start3A_175, %dma_start3A_176] : memref<10000x64xf32, #tpu.memory_space<vmem_shared>> -> memref<10000x64xf32, #tpu.memory_space<vmem_shared>>
      tpu.enqueue_indirect_dma source(%arg12 : memref<200x64xf32, #tpu.memory_space<vmem>>) target(%dma_start3A_177 : memref<10000x64xf32, #tpu.memory_space<vmem_shared>>) offsets(%arg16 : memref<200xi32, #tpu.memory_space<vmem>>) semaphore(%arg23 : memref<!tpu.dma_semaphore, #tpu.memory_space<semaphore_mem>>) {add = true}
      %mul3A_178 = arith.constant 2 : i32
      %mul3A_179 = arith.muli %scan3A_143, %mul3A_178 : i32
      %add3A_180 = arith.constant 1 : i32
      %add3A_181 = arith.addi %mul3A_179, %add3A_180 : i32
      %dma_wait3A_182 = arith.constant 0 : i32
      %dma_wait3A_183 = tpu.memref_slice %arg14[%dma_wait3A_182] : memref<10000xi32, #tpu.memory_space<vmem>> -> memref<200xi32, #tpu.memory_space<vmem>>
      %dma_wait3A_184 = arith.constant 0 : i32
      %dma_wait3A_185 = arith.constant 0 : i32
      %dma_wait3A_186 = tpu.memref_slice %arg2[%dma_wait3A_184, %dma_wait3A_185] : memref<10000x64xf32, #tpu.memory_space<hbm>> -> memref<10000x64xf32, #tpu.memory_space<hbm>>
      tpu.wait_indirect_dma semaphore(%arg20 : memref<!tpu.dma_semaphore, #tpu.memory_space<semaphore_mem>>) src(%dma_wait3A_186 : memref<10000x64xf32, #tpu.memory_space<hbm>>) dst(%arg9 : memref<200x64xf32, #tpu.memory_space<vmem>>)
      %dma_wait3A_187 = arith.constant 0 : i32
      %dma_wait3A_188 = tpu.memref_slice %arg15[%dma_wait3A_187] : memref<10000xi32, #tpu.memory_space<vmem>> -> memref<200xi32, #tpu.memory_space<vmem>>
      %dma_wait3A_189 = arith.constant 0 : i32
      %dma_wait3A_190 = arith.constant 0 : i32
      %dma_wait3A_191 = tpu.memref_slice %arg3[%dma_wait3A_189, %dma_wait3A_190] : memref<10000x16xf32, #tpu.memory_space<hbm>> -> memref<10000x16xf32, #tpu.memory_space<hbm>>
      tpu.wait_indirect_dma semaphore(%arg22 : memref<!tpu.dma_semaphore, #tpu.memory_space<semaphore_mem>>) src(%dma_wait3A_191 : memref<10000x16xf32, #tpu.memory_space<hbm>>) dst(%arg11 : memref<200x16xf32, #tpu.memory_space<vmem>>)
      %ge3A_192 = arith.constant 2 : i32
      %ge3A_193 = arith.cmpi sge, %add3A_181, %ge3A_192 : i32
      %convert_element_type3A_194 = arith.extui %ge3A_193 : i1 to i32
      %cond3A_195 = arith.constant 0 : i32
      %cond3A_196 = arith.cmpi ne, %convert_element_type3A_194, %cond3A_195 : i32
      scf.if %cond3A_196 {
        %dma_wait3A_214 = arith.constant 0 : i32
        %dma_wait3A_215 = arith.constant 0 : i32
        %dma_wait3A_216 = tpu.memref_slice %arg18[%dma_wait3A_214, %dma_wait3A_215] : memref<10000x64xf32, #tpu.memory_space<vmem_shared>> -> memref<10000x64xf32, #tpu.memory_space<vmem_shared>>
        tpu.wait_indirect_dma semaphore(%arg24 : memref<!tpu.dma_semaphore, #tpu.memory_space<semaphore_mem>>) src(%arg13 : memref<200x64xf32, #tpu.memory_space<vmem>>) dst(%dma_wait3A_216 : memref<10000x64xf32, #tpu.memory_space<vmem_shared>>)
      } else {
      }
      %add3A_197 = arith.constant 1 : i32
      %add3A_198 = arith.addi %add3A_181, %add3A_197 : i32
      %lt3A_199 = arith.constant 50 : i32
      %lt3A_200 = arith.cmpi slt, %add3A_198, %lt3A_199 : i32
      %convert_element_type3A_201 = arith.extui %lt3A_200 : i1 to i32
      %cond3A_202 = arith.constant 0 : i32
      %cond3A_203 = arith.cmpi ne, %convert_element_type3A_201, %cond3A_202 : i32
      scf.if %cond3A_203 {
        %add3A_214 = arith.constant 1 : i32
        %add3A_215 = arith.addi %add3A_181, %add3A_214 : i32
        %mul3A_216 = arith.constant 200 : i32
        %mul3A_217 = arith.muli %add3A_215, %mul3A_216 : i32
        %dma_start3A_218 = tpu.memref_slice %arg14[%mul3A_217] : memref<10000xi32, #tpu.memory_space<vmem>> -> memref<200xi32, #tpu.memory_space<vmem>>
        %dma_start3A_219 = arith.constant 0 : i32
        %dma_start3A_220 = arith.constant 0 : i32
        %dma_start3A_221 = tpu.memref_slice %arg2[%dma_start3A_219, %dma_start3A_220] : memref<10000x64xf32, #tpu.memory_space<hbm>> -> memref<10000x64xf32, #tpu.memory_space<hbm>>
        tpu.enqueue_indirect_dma source(%dma_start3A_221 : memref<10000x64xf32, #tpu.memory_space<hbm>>) target(%arg8 : memref<200x64xf32, #tpu.memory_space<vmem>>) offsets(%dma_start3A_218 : memref<200xi32, #tpu.memory_space<vmem>>) semaphore(%arg19 : memref<!tpu.dma_semaphore, #tpu.memory_space<semaphore_mem>>)
        %mul3A_222 = arith.constant 200 : i32
        %mul3A_223 = arith.muli %add3A_215, %mul3A_222 : i32
        %dma_start3A_224 = tpu.memref_slice %arg15[%mul3A_223] : memref<10000xi32, #tpu.memory_space<vmem>> -> memref<200xi32, #tpu.memory_space<vmem>>
        %dma_start3A_225 = arith.constant 0 : i32
        %dma_start3A_226 = arith.constant 0 : i32
        %dma_start3A_227 = tpu.memref_slice %arg3[%dma_start3A_225, %dma_start3A_226] : memref<10000x16xf32, #tpu.memory_space<hbm>> -> memref<10000x16xf32, #tpu.memory_space<hbm>>
        tpu.enqueue_indirect_dma source(%dma_start3A_227 : memref<10000x16xf32, #tpu.memory_space<hbm>>) target(%arg10 : memref<200x16xf32, #tpu.memory_space<vmem>>) offsets(%dma_start3A_224 : memref<200xi32, #tpu.memory_space<vmem>>) semaphore(%arg21 : memref<!tpu.dma_semaphore, #tpu.memory_space<semaphore_mem>>)
      } else {
      }
      %parallel_loop3A_204 = arith.constant 0 : i32
      %parallel_loop3A_205 = arith.constant 200 : i32
      %parallel_loop3A_206 = arith.constant 1 : i32
      scf.for %parallel_loop3A_214 = %parallel_loop3A_204 to %parallel_loop3A_205 step %parallel_loop3A_206  : i32 {
        %parallel_loop3A_215 = arith.index_cast %parallel_loop3A_214 : i32 to index
        %parallel_loop3A_216 = arith.constant 48 : index
        %parallel_loop3A_217 = tpu.vector_load %arg9[%parallel_loop3A_215, %parallel_loop3A_216] {strides = array<i32>} : memref<200x64xf32, #tpu.memory_space<vmem>>, vector<1x16xf32>,
        %parallel_loop3A_218 = vector.shape_cast %parallel_loop3A_217 : vector<1x16xf32> to vector<16xf32>
        %parallel_loop3A_219 = arith.index_cast %parallel_loop3A_214 : i32 to index
        %parallel_loop3A_220 = arith.constant 0 : index
        %parallel_loop3A_221 = tpu.vector_load %arg11[%parallel_loop3A_219, %parallel_loop3A_220] {strides = array<i32>} : memref<200x16xf32, #tpu.memory_space<vmem>>, vector<1x16xf32>,
        %parallel_loop3A_222 = vector.shape_cast %parallel_loop3A_221 : vector<1x16xf32> to vector<16xf32>
        %parallel_loop3A_223 = arith.addf %parallel_loop3A_218, %parallel_loop3A_222 : vector<16xf32>
        %parallel_loop3A_224 = arith.constant 2.000000e-01 : f32
        %parallel_loop3A_225 = vector.broadcast %parallel_loop3A_224 : f32 to vector<16xf32>
        %parallel_loop3A_226 = arith.mulf %parallel_loop3A_225, %parallel_loop3A_223 : vector<16xf32>
        %parallel_loop3A_227 = arith.maximumf %parallel_loop3A_223, %parallel_loop3A_226 : vector<16xf32>
        %parallel_loop3A_228 = math.exp %parallel_loop3A_227 : vector<16xf32>
        %parallel_loop3A_229 = arith.index_cast %parallel_loop3A_214 : i32 to index
        %parallel_loop3A_230 = arith.constant 0 : index
        %parallel_loop3A_231 = tpu.vector_load %arg9[%parallel_loop3A_229, %parallel_loop3A_230] {strides = array<i32>} : memref<200x64xf32, #tpu.memory_space<vmem>>, vector<1x16xf32>,
        %parallel_loop3A_232 = vector.shape_cast %parallel_loop3A_231 : vector<1x16xf32> to vector<16xf32>
        %parallel_loop3A_233 = arith.constant 0 : i32
        %parallel_loop3A_234 = vector.broadcast %parallel_loop3A_233 : i32 to vector<16xi32>
        %parallel_loop3A_235 = arith.cmpi slt, %min3A_31, %parallel_loop3A_234 : vector<16xi32>
        %parallel_loop3A_236 = arith.constant 16 : i32
        %parallel_loop3A_237 = vector.broadcast %parallel_loop3A_236 : i32 to vector<16xi32>
        %parallel_loop3A_238 = arith.addi %min3A_31, %parallel_loop3A_237 : vector<16xi32>
        %parallel_loop3A_239 = arith.select %parallel_loop3A_235, %parallel_loop3A_238, %min3A_31 : vector<16xi1>, vector<16xi32>
        %parallel_loop3A_240 = vector.shape_cast %parallel_loop3A_239 : vector<16xi32> to vector<16x1xi32>
        %parallel_loop3A_241 = vector.shape_cast %parallel_loop3A_240 : vector<16x1xi32> to vector<16xi32>
        %parallel_loop3A_242 = tpu.dynamic_gather %parallel_loop3A_228[%parallel_loop3A_241] in [0] : vector<16xf32>, vector<16xi32> -> vector<16xf32>
        %parallel_loop3A_243 = arith.mulf %parallel_loop3A_232, %parallel_loop3A_242 : vector<16xf32>
        %parallel_loop3A_244 = arith.index_cast %parallel_loop3A_214 : i32 to index
        %parallel_loop3A_245 = arith.constant 0 : index
        %parallel_loop3A_246 = tpu.vector_load %arg13[%parallel_loop3A_244, %parallel_loop3A_245] {strides = array<i32>} : memref<200x64xf32, #tpu.memory_space<vmem>>, vector<1x16xf32>,
        %parallel_loop3A_247 = vector.shape_cast %parallel_loop3A_246 : vector<1x16xf32> to vector<16xf32>
        %parallel_loop3A_248 = vector.shape_cast %parallel_loop3A_243 : vector<16xf32> to vector<1x16xf32>
        tpu.vector_store %arg13[%parallel_loop3A_244, %parallel_loop3A_245], %parallel_loop3A_248 {strides = array<i32>} : memref<200x64xf32, #tpu.memory_space<vmem>>, vector<1x16xf32>,
        %parallel_loop3A_249 = arith.index_cast %parallel_loop3A_214 : i32 to index
        %parallel_loop3A_250 = arith.constant 16 : index
        %parallel_loop3A_251 = tpu.vector_load %arg9[%parallel_loop3A_249, %parallel_loop3A_250] {strides = array<i32>} : memref<200x64xf32, #tpu.memory_space<vmem>>, vector<1x16xf32>,
        %parallel_loop3A_252 = vector.shape_cast %parallel_loop3A_251 : vector<1x16xf32> to vector<16xf32>
        %parallel_loop3A_253 = arith.constant 0 : i32
        %parallel_loop3A_254 = vector.broadcast %parallel_loop3A_253 : i32 to vector<16xi32>
        %parallel_loop3A_255 = arith.cmpi slt, %min3A_57, %parallel_loop3A_254 : vector<16xi32>
        %parallel_loop3A_256 = arith.constant 16 : i32
        %parallel_loop3A_257 = vector.broadcast %parallel_loop3A_256 : i32 to vector<16xi32>
        %parallel_loop3A_258 = arith.addi %min3A_57, %parallel_loop3A_257 : vector<16xi32>
        %parallel_loop3A_259 = arith.select %parallel_loop3A_255, %parallel_loop3A_258, %min3A_57 : vector<16xi1>, vector<16xi32>
        %parallel_loop3A_260 = vector.shape_cast %parallel_loop3A_259 : vector<16xi32> to vector<16x1xi32>
        %parallel_loop3A_261 = vector.shape_cast %parallel_loop3A_260 : vector<16x1xi32> to vector<16xi32>
        %parallel_loop3A_262 = tpu.dynamic_gather %parallel_loop3A_228[%parallel_loop3A_261] in [0] : vector<16xf32>, vector<16xi32> -> vector<16xf32>
        %parallel_loop3A_263 = arith.mulf %parallel_loop3A_252, %parallel_loop3A_262 : vector<16xf32>
        %parallel_loop3A_264 = arith.index_cast %parallel_loop3A_214 : i32 to index
        %parallel_loop3A_265 = arith.constant 16 : index
        %parallel_loop3A_266 = tpu.vector_load %arg13[%parallel_loop3A_264, %parallel_loop3A_265] {strides = array<i32>} : memref<200x64xf32, #tpu.memory_space<vmem>>, vector<1x16xf32>,
        %parallel_loop3A_267 = vector.shape_cast %parallel_loop3A_266 : vector<1x16xf32> to vector<16xf32>
        %parallel_loop3A_268 = vector.shape_cast %parallel_loop3A_263 : vector<16xf32> to vector<1x16xf32>
        tpu.vector_store %arg13[%parallel_loop3A_264, %parallel_loop3A_265], %parallel_loop3A_268 {strides = array<i32>} : memref<200x64xf32, #tpu.memory_space<vmem>>, vector<1x16xf32>,
        %parallel_loop3A_269 = arith.index_cast %parallel_loop3A_214 : i32 to index
        %parallel_loop3A_270 = arith.constant 32 : index
        %parallel_loop3A_271 = tpu.vector_load %arg9[%parallel_loop3A_269, %parallel_loop3A_270] {strides = array<i32>} : memref<200x64xf32, #tpu.memory_space<vmem>>, vector<1x16xf32>,
        %parallel_loop3A_272 = vector.shape_cast %parallel_loop3A_271 : vector<1x16xf32> to vector<16xf32>
        %parallel_loop3A_273 = arith.constant 0 : i32
        %parallel_loop3A_274 = vector.broadcast %parallel_loop3A_273 : i32 to vector<16xi32>
        %parallel_loop3A_275 = arith.cmpi slt, %min3A_83, %parallel_loop3A_274 : vector<16xi32>
        %parallel_loop3A_276 = arith.constant 16 : i32
        %parallel_loop3A_277 = vector.broadcast %parallel_loop3A_276 : i32 to vector<16xi32>
        %parallel_loop3A_278 = arith.addi %min3A_83, %parallel_loop3A_277 : vector<16xi32>
        %parallel_loop3A_279 = arith.select %parallel_loop3A_275, %parallel_loop3A_278, %min3A_83 : vector<16xi1>, vector<16xi32>
        %parallel_loop3A_280 = vector.shape_cast %parallel_loop3A_279 : vector<16xi32> to vector<16x1xi32>
        %parallel_loop3A_281 = vector.shape_cast %parallel_loop3A_280 : vector<16x1xi32> to vector<16xi32>
        %parallel_loop3A_282 = tpu.dynamic_gather %parallel_loop3A_228[%parallel_loop3A_281] in [0] : vector<16xf32>, vector<16xi32> -> vector<16xf32>
        %parallel_loop3A_283 = arith.mulf %parallel_loop3A_272, %parallel_loop3A_282 : vector<16xf32>
        %parallel_loop3A_284 = arith.index_cast %parallel_loop3A_214 : i32 to index
        %parallel_loop3A_285 = arith.constant 32 : index
        %parallel_loop3A_286 = tpu.vector_load %arg13[%parallel_loop3A_284, %parallel_loop3A_285] {strides = array<i32>} : memref<200x64xf32, #tpu.memory_space<vmem>>, vector<1x16xf32>,
        %parallel_loop3A_287 = vector.shape_cast %parallel_loop3A_286 : vector<1x16xf32> to vector<16xf32>
        %parallel_loop3A_288 = vector.shape_cast %parallel_loop3A_283 : vector<16xf32> to vector<1x16xf32>
        tpu.vector_store %arg13[%parallel_loop3A_284, %parallel_loop3A_285], %parallel_loop3A_288 {strides = array<i32>} : memref<200x64xf32, #tpu.memory_space<vmem>>, vector<1x16xf32>,
        %parallel_loop3A_289 = arith.constant 0 : i32
        %parallel_loop3A_290 = vector.broadcast %parallel_loop3A_289 : i32 to vector<16xi32>
        %parallel_loop3A_291 = arith.cmpi slt, %min3A_109, %parallel_loop3A_290 : vector<16xi32>
        %parallel_loop3A_292 = arith.constant 16 : i32
        %parallel_loop3A_293 = vector.broadcast %parallel_loop3A_292 : i32 to vector<16xi32>
        %parallel_loop3A_294 = arith.addi %min3A_109, %parallel_loop3A_293 : vector<16xi32>
        %parallel_loop3A_295 = arith.select %parallel_loop3A_291, %parallel_loop3A_294, %min3A_109 : vector<16xi1>, vector<16xi32>
        %parallel_loop3A_296 = vector.shape_cast %parallel_loop3A_295 : vector<16xi32> to vector<16x1xi32>
        %parallel_loop3A_297 = vector.shape_cast %parallel_loop3A_296 : vector<16x1xi32> to vector<16xi32>
        %parallel_loop3A_298 = tpu.dynamic_gather %parallel_loop3A_228[%parallel_loop3A_297] in [0] : vector<16xf32>, vector<16xi32> -> vector<16xf32>
        %parallel_loop3A_299 = arith.mulf %parallel_loop3A_218, %parallel_loop3A_298 : vector<16xf32>
        %parallel_loop3A_300 = arith.index_cast %parallel_loop3A_214 : i32 to index
        %parallel_loop3A_301 = arith.constant 48 : index
        %parallel_loop3A_302 = tpu.vector_load %arg13[%parallel_loop3A_300, %parallel_loop3A_301] {strides = array<i32>} : memref<200x64xf32, #tpu.memory_space<vmem>>, vector<1x16xf32>,
        %parallel_loop3A_303 = vector.shape_cast %parallel_loop3A_302 : vector<1x16xf32> to vector<16xf32>
        %parallel_loop3A_304 = vector.shape_cast %parallel_loop3A_299 : vector<16xf32> to vector<1x16xf32>
        tpu.vector_store %arg13[%parallel_loop3A_300, %parallel_loop3A_301], %parallel_loop3A_304 {strides = array<i32>} : memref<200x64xf32, #tpu.memory_space<vmem>>, vector<1x16xf32>,
      } {sc.loop_unroll_factor = 8 : i64, sc.parallel_access}
      %mul3A_207 = arith.constant 200 : i32
      %mul3A_208 = arith.muli %add3A_181, %mul3A_207 : i32
      %add3A_209 = arith.addi %mul3A_111, %mul3A_208 : i32
      "tpu.region"() ({
        %run_scoped3A = tpu.sem_alloc : memref<!tpu.dma_semaphore, #tpu.memory_space<semaphore_mem>>
        %dma_start3A_214 = tpu.memref_slice %arg5[%add3A_209] : memref<320000xi32, #tpu.memory_space<hbm>> -> memref<200xi32, #tpu.memory_space<hbm>>
        %dma_start3A_215 = tpu.memref_slice %arg5[%add3A_209] : memref<320000xi32, #tpu.memory_space<hbm>> -> memref<200xi32, #tpu.memory_space<hbm>>
        tpu.enqueue_dma source(%dma_start3A_215 : memref<200xi32, #tpu.memory_space<hbm>>) target(%arg17 : memref<200xi32, #tpu.memory_space<vmem>>) target_semaphore(%run_scoped3A : memref<!tpu.dma_semaphore, #tpu.memory_space<semaphore_mem>>)
        %dma_wait3A_216 = tpu.memref_slice %arg5[%add3A_209] : memref<320000xi32, #tpu.memory_space<hbm>> -> memref<200xi32, #tpu.memory_space<hbm>>
        %dma_wait3A_217 = tpu.memref_slice %arg5[%add3A_209] : memref<320000xi32, #tpu.memory_space<hbm>> -> memref<200xi32, #tpu.memory_space<hbm>>
        tpu.wait_dma2 semaphore(%run_scoped3A : memref<!tpu.dma_semaphore, #tpu.memory_space<semaphore_mem>>) src(%dma_wait3A_217 : memref<200xi32, #tpu.memory_space<hbm>>) dst(%arg17 : memref<200xi32, #tpu.memory_space<vmem>>)
        tpu.yield
      }) : () -> ()
      %dma_start3A_210 = arith.constant 0 : i32
      %dma_start3A_211 = arith.constant 0 : i32
      %dma_start3A_212 = tpu.memref_slice %arg18[%dma_start3A_210, %dma_start3A_211] : memref<10000x64xf32, #tpu.memory_space<vmem_shared>> -> memref<10000x64xf32, #tpu.memory_space<vmem_shared>>
      tpu.enqueue_indirect_dma source(%arg13 : memref<200x64xf32, #tpu.memory_space<vmem>>) target(%dma_start3A_212 : memref<10000x64xf32, #tpu.memory_space<vmem_shared>>) offsets(%arg17 : memref<200xi32, #tpu.memory_space<vmem>>) semaphore(%arg24 : memref<!tpu.dma_semaphore, #tpu.memory_space<semaphore_mem>>) {add = true}
      %scan3A_213 = arith.constant 0 : i32
      scf.yield %scan3A_213 : i32
    }
    %scan3A_126 = arith.constant 25 : i32
    %dma_wait3A = arith.constant 0 : i32
    %dma_wait3A_127 = arith.constant 0 : i32
    %dma_wait3A_128 = tpu.memref_slice %arg18[%dma_wait3A, %dma_wait3A_127] : memref<10000x64xf32, #tpu.memory_space<vmem_shared>> -> memref<10000x64xf32, #tpu.memory_space<vmem_shared>>
    tpu.wait_indirect_dma semaphore(%arg23 : memref<!tpu.dma_semaphore, #tpu.memory_space<semaphore_mem>>) src(%arg12 : memref<200x64xf32, #tpu.memory_space<vmem>>) dst(%dma_wait3A_128 : memref<10000x64xf32, #tpu.memory_space<vmem_shared>>)
    %dma_wait3A_129 = arith.constant 0 : i32
    %dma_wait3A_130 = arith.constant 0 : i32
    %dma_wait3A_131 = tpu.memref_slice %arg18[%dma_wait3A_129, %dma_wait3A_130] : memref<10000x64xf32, #tpu.memory_space<vmem_shared>> -> memref<10000x64xf32, #tpu.memory_space<vmem_shared>>
    tpu.wait_indirect_dma semaphore(%arg24 : memref<!tpu.dma_semaphore, #tpu.memory_space<semaphore_mem>>) src(%arg13 : memref<200x64xf32, #tpu.memory_space<vmem>>) dst(%dma_wait3A_131 : memref<10000x64xf32, #tpu.memory_space<vmem_shared>>)
    %barrier3A_132 = arith.constant 0 : index
    tpu.barrier barrier_id(%barrier3A_132)
    %lt3A_133 = arith.constant 15 : i32
    %lt3A_134 = arith.cmpi slt, %arg1, %lt3A_133 : i32
    %convert_element_type3A_135 = arith.extui %lt3A_134 : i1 to i32
    %cond3A_136 = arith.constant 0 : i32
    %cond3A_137 = arith.cmpi ne, %convert_element_type3A_135, %cond3A_136 : i32
    scf.if %cond3A_137 {
      "tpu.region"() ({
        %run_scoped3A = tpu.sem_alloc : memref<!tpu.dma_semaphore, #tpu.memory_space<semaphore_mem>>
        %dma_start3A_143 = arith.constant 0 : i32
        %dma_start3A_144 = tpu.memref_slice %arg7[%arg0, %multiple_of3A, %dma_start3A_143] : memref<2x10000x64xf32, #tpu.memory_space<hbm>> -> memref<1x640x64xf32, #tpu.memory_space<hbm>>
        %dma_start3A_145 = tpu.memref_squeeze %dma_start3A_144 : memref<1x640x64xf32, #tpu.memory_space<hbm>> -> memref<640x64xf32, #tpu.memory_space<hbm>>
        %dma_start3A_146 = arith.constant 0 : i32
        %dma_start3A_147 = tpu.memref_slice %arg18[%multiple_of3A, %dma_start3A_146] : memref<10000x64xf32, #tpu.memory_space<vmem_shared>> -> memref<640x64xf32, #tpu.memory_space<vmem_shared>>
        tpu.enqueue_dma source(%dma_start3A_147 : memref<640x64xf32, #tpu.memory_space<vmem_shared>>) target(%dma_start3A_145 : memref<640x64xf32, #tpu.memory_space<hbm>>) target_semaphore(%run_scoped3A : memref<!tpu.dma_semaphore, #tpu.memory_space<semaphore_mem>>)
        %dma_wait3A_148 = arith.constant 0 : i32
        %dma_wait3A_149 = tpu.memref_slice %arg7[%arg0, %multiple_of3A, %dma_wait3A_148] : memref<2x10000x64xf32, #tpu.memory_space<hbm>> -> memref<1x640x64xf32, #tpu.memory_space<hbm>>
        %dma_wait3A_150 = tpu.memref_squeeze %dma_wait3A_149 : memref<1x640x64xf32, #tpu.memory_space<hbm>> -> memref<640x64xf32, #tpu.memory_space<hbm>>
        %dma_wait3A_151 = arith.constant 0 : i32
        %dma_wait3A_152 = tpu.memref_slice %arg18[%multiple_of3A, %dma_wait3A_151] : memref<10000x64xf32, #tpu.memory_space<vmem_shared>> -> memref<640x64xf32, #tpu.memory_space<vmem_shared>>
        tpu.wait_dma2 semaphore(%run_scoped3A : memref<!tpu.dma_semaphore, #tpu.memory_space<semaphore_mem>>) src(%dma_wait3A_152 : memref<640x64xf32, #tpu.memory_space<vmem_shared>>) dst(%dma_wait3A_150 : memref<640x64xf32, #tpu.memory_space<hbm>>)
        tpu.yield
      }) : () -> ()
    } else {
    }
    %eq3A_138 = arith.constant 15 : i32
    %eq3A_139 = arith.cmpi eq, %arg1, %eq3A_138 : i32
    %convert_element_type3A_140 = arith.extui %eq3A_139 : i1 to i32
    %cond3A_141 = arith.constant 0 : i32
    %cond3A_142 = arith.cmpi ne, %convert_element_type3A_140, %cond3A_141 : i32
    scf.if %cond3A_142 {
      "tpu.region"() ({
        %run_scoped3A = tpu.sem_alloc : memref<!tpu.dma_semaphore, #tpu.memory_space<semaphore_mem>>
        %dma_start3A_143 = arith.constant 0 : i32
        %dma_start3A_144 = tpu.memref_slice %arg7[%arg0, %multiple_of3A, %dma_start3A_143] : memref<2x10000x64xf32, #tpu.memory_space<hbm>> -> memref<1x400x64xf32, #tpu.memory_space<hbm>>
        %dma_start3A_145 = tpu.memref_squeeze %dma_start3A_144 : memref<1x400x64xf32, #tpu.memory_space<hbm>> -> memref<400x64xf32, #tpu.memory_space<hbm>>
        %dma_start3A_146 = arith.constant 0 : i32
        %dma_start3A_147 = tpu.memref_slice %arg18[%multiple_of3A, %dma_start3A_146] : memref<10000x64xf32, #tpu.memory_space<vmem_shared>> -> memref<400x64xf32, #tpu.memory_space<vmem_shared>>
        tpu.enqueue_dma source(%dma_start3A_147 : memref<400x64xf32, #tpu.memory_space<vmem_shared>>) target(%dma_start3A_145 : memref<400x64xf32, #tpu.memory_space<hbm>>) target_semaphore(%run_scoped3A : memref<!tpu.dma_semaphore, #tpu.memory_space<semaphore_mem>>)
        %dma_wait3A_148 = arith.constant 0 : i32
        %dma_wait3A_149 = tpu.memref_slice %arg7[%arg0, %multiple_of3A, %dma_wait3A_148] : memref<2x10000x64xf32, #tpu.memory_space<hbm>> -> memref<1x400x64xf32, #tpu.memory_space<hbm>>
        %dma_wait3A_150 = tpu.memref_squeeze %dma_wait3A_149 : memref<1x400x64xf32, #tpu.memory_space<hbm>> -> memref<400x64xf32, #tpu.memory_space<hbm>>
        %dma_wait3A_151 = arith.constant 0 : i32
        %dma_wait3A_152 = tpu.memref_slice %arg18[%multiple_of3A, %dma_wait3A_151] : memref<10000x64xf32, #tpu.memory_space<vmem_shared>> -> memref<400x64xf32, #tpu.memory_space<vmem_shared>>
        tpu.wait_dma2 semaphore(%run_scoped3A : memref<!tpu.dma_semaphore, #tpu.memory_space<semaphore_mem>>) src(%dma_wait3A_152 : memref<400x64xf32, #tpu.memory_space<vmem_shared>>) dst(%dma_wait3A_150 : memref<400x64xf32, #tpu.memory_space<hbm>>)
        tpu.yield
      }) : () -> ()
    } else {
    }
    return
  }
}

module attributes {stable_mosaic.version = 14 : i64} {
  func.func @_prep_body(%arg0: i32, %arg1: memref<2000x200xf32, #tpu.memory_space<vmem>>, %arg2: memref<200x50xf32, #tpu.memory_space<vmem>>, %arg3: memref<50x5xf32, #tpu.memory_space<vmem>>, %arg4: memref<50x5xf32, #tpu.memory_space<vmem>>, %arg5: memref<5x50xf32, #tpu.memory_space<vmem>>, %arg6: memref<2000x64xf32, #tpu.memory_space<vmem>>, %arg7: memref<2000x16xf32, #tpu.memory_space<vmem>>, %arg8: memref<2000x64xf32, #tpu.memory_space<vmem>>) attributes {dimension_semantics = [#tpu.dimension_semantics<arbitrary>], iteration_bounds = array<i64: 5>, scalar_prefetch = 0 : i64, scratch_operands = 0 : i64, tpu.core_type = #tpu.core_type<tc>, window_params = [{transform_indices = @transform_0, window_bounds = array<i64: 2000, 200>}, {pipeline_mode = #tpu.pipeline_mode<synchronous>, transform_indices = @transform_1, window_bounds = array<i64: 200, 50>}, {pipeline_mode = #tpu.pipeline_mode<synchronous>, transform_indices = @transform_2, window_bounds = array<i64: 50, 5>}, {pipeline_mode = #tpu.pipeline_mode<synchronous>, transform_indices = @transform_3, window_bounds = array<i64: 50, 5>}, {pipeline_mode = #tpu.pipeline_mode<synchronous>, transform_indices = @transform_4, window_bounds = array<i64: 5, 50>}, {transform_indices = @transform_5, window_bounds = array<i64: 2000, 64>}, {transform_indices = @transform_6, window_bounds = array<i64: 2000, 16>}, {transform_indices = @transform_7, window_bounds = array<i64: 2000, 64>}]} {
    %get3A = arith.constant 0 : index
    %get3A_0 = arith.constant 0 : index
    %get3A_1 = vector.load %arg1[%get3A, %get3A_0] : memref<2000x200xf32, #tpu.memory_space<vmem>>, vector<2000x200xf32>
    %get3A_2 = arith.constant 0 : index
    %get3A_3 = arith.constant 0 : index
    %get3A_4 = vector.load %arg2[%get3A_2, %get3A_3] : memref<200x50xf32, #tpu.memory_space<vmem>>, vector<200x50xf32>
    %dot_general3A = arith.constant dense<0.000000e+00> : vector<2000x50xf32>
    %dot_general3A_5 = tpu.matmul %get3A_1, %get3A_4, %dot_general3A {dimension_numbers = #tpu.dot_dimension_numbers<[1], [0], [0], [1], [0, 0, 1, 1], [], []>, transpose_lhs_hint = false} : vector<2000x200xf32>, vector<200x50xf32>, vector<2000x50xf32> -> vector<2000x50xf32>
    %get3A_6 = arith.constant 0 : index
    %get3A_7 = arith.constant 0 : index
    %get3A_8 = vector.load %arg3[%get3A_6, %get3A_7] : memref<50x5xf32, #tpu.memory_space<vmem>>, vector<50x5xf32>
    %dot_general3A_9 = arith.constant dense<0.000000e+00> : vector<2000x5xf32>
    %dot_general3A_10 = tpu.matmul %dot_general3A_5, %get3A_8, %dot_general3A_9 {dimension_numbers = #tpu.dot_dimension_numbers<[1], [0], [0], [1], [0, 0, 1, 1], [], []>, transpose_lhs_hint = false} : vector<2000x50xf32>, vector<50x5xf32>, vector<2000x5xf32> -> vector<2000x5xf32>
    %get3A_11 = arith.constant 0 : index
    %get3A_12 = arith.constant 0 : index
    %get3A_13 = vector.load %arg4[%get3A_11, %get3A_12] : memref<50x5xf32, #tpu.memory_space<vmem>>, vector<50x5xf32>
    %dot_general3A_14 = arith.constant dense<0.000000e+00> : vector<2000x5xf32>
    %dot_general3A_15 = tpu.matmul %dot_general3A_5, %get3A_13, %dot_general3A_14 {dimension_numbers = #tpu.dot_dimension_numbers<[1], [0], [0], [1], [0, 0, 1, 1], [], []>, transpose_lhs_hint = false} : vector<2000x50xf32>, vector<50x5xf32>, vector<2000x5xf32> -> vector<2000x5xf32>
    %add3A = arith.addf %dot_general3A_10, %dot_general3A_15 : vector<2000x5xf32>
    %mul3A = arith.constant 2.000000e-01 : f32
    %mul3A_16 = vector.broadcast %mul3A : f32 to vector<2000x5xf32>
    %mul3A_17 = arith.mulf %mul3A_16, %add3A : vector<2000x5xf32>
    %max3A = arith.maximumf %add3A, %mul3A_17 : vector<2000x5xf32>
    %exp3A = math.exp %max3A : vector<2000x5xf32>
    %get3A_18 = arith.constant 0 : index
    %get3A_19 = arith.constant 0 : index
    %get3A_20 = vector.load %arg5[%get3A_18, %get3A_19] : memref<5x50xf32, #tpu.memory_space<vmem>>, vector<5x50xf32>
    %dot_general3A_21 = arith.constant dense<0.000000e+00> : vector<2000x50xf32>
    %dot_general3A_22 = tpu.matmul %exp3A, %get3A_20, %dot_general3A_21 {dimension_numbers = #tpu.dot_dimension_numbers<[1], [0], [0], [1], [0, 0, 1, 1], [], []>, transpose_lhs_hint = false} : vector<2000x5xf32>, vector<5x50xf32>, vector<2000x50xf32> -> vector<2000x50xf32>
    %mul3A_23 = arith.mulf %dot_general3A_22, %dot_general3A_5 : vector<2000x50xf32>
    %broadcast_in_dim3A = arith.constant 1.000000e+00 : f32
    %broadcast_in_dim3A_24 = vector.broadcast %broadcast_in_dim3A : f32 to vector<2000x5xf32>
    %broadcast_in_dim3A_25 = arith.constant 0.000000e+00 : f32
    %broadcast_in_dim3A_26 = vector.broadcast %broadcast_in_dim3A_25 : f32 to vector<2000x9xf32>
    %broadcast_in_dim3A_27 = arith.constant 0.000000e+00 : f32
    %broadcast_in_dim3A_28 = vector.broadcast %broadcast_in_dim3A_27 : f32 to vector<2000x4xf32>
    %broadcast_in_dim3A_29 = arith.constant 0.000000e+00 : f32
    %broadcast_in_dim3A_30 = vector.broadcast %broadcast_in_dim3A_29 : f32 to vector<2000x7xf32>
    %concatenate3A = tpu.concatenate %dot_general3A_5, %broadcast_in_dim3A_24, %dot_general3A_10, %broadcast_in_dim3A_28 in 1 : vector<2000x50xf32>, vector<2000x5xf32>, vector<2000x5xf32>, vector<2000x4xf32> -> vector<2000x64xf32>
    %swap3A = arith.constant 0 : index
    %swap3A_31 = arith.constant 0 : index
    %swap3A_32 = vector.load %arg6[%swap3A, %swap3A_31] : memref<2000x64xf32, #tpu.memory_space<vmem>>, vector<2000x64xf32>
    tpu.vector_store %arg6[%swap3A, %swap3A_31], %concatenate3A {strides = array<i32>} : memref<2000x64xf32, #tpu.memory_space<vmem>>, vector<2000x64xf32>,
    %concatenate3A_33 = tpu.concatenate %mul3A_23, %exp3A, %broadcast_in_dim3A_26 in 1 : vector<2000x50xf32>, vector<2000x5xf32>, vector<2000x9xf32> -> vector<2000x64xf32>
    %mul3A_34 = arith.constant 5.000000e-01 : f32
    %mul3A_35 = vector.broadcast %mul3A_34 : f32 to vector<2000x64xf32>
    %mul3A_36 = arith.mulf %mul3A_35, %concatenate3A_33 : vector<2000x64xf32>
    %swap3A_37 = arith.constant 0 : index
    %swap3A_38 = arith.constant 0 : index
    %swap3A_39 = vector.load %arg8[%swap3A_37, %swap3A_38] : memref<2000x64xf32, #tpu.memory_space<vmem>>, vector<2000x64xf32>
    tpu.vector_store %arg8[%swap3A_37, %swap3A_38], %mul3A_36 {strides = array<i32>} : memref<2000x64xf32, #tpu.memory_space<vmem>>, vector<2000x64xf32>,
    %concatenate3A_40 = tpu.concatenate %broadcast_in_dim3A_30, %dot_general3A_15, %broadcast_in_dim3A_28 in 1 : vector<2000x7xf32>, vector<2000x5xf32>, vector<2000x4xf32> -> vector<2000x16xf32>
    %swap3A_41 = arith.constant 0 : index
    %swap3A_42 = arith.constant 0 : index
    %swap3A_43 = vector.load %arg7[%swap3A_41, %swap3A_42] : memref<2000x16xf32, #tpu.memory_space<vmem>>, vector<2000x16xf32>
    tpu.vector_store %arg7[%swap3A_41, %swap3A_42], %concatenate3A_40 {strides = array<i32>} : memref<2000x16xf32, #tpu.memory_space<vmem>>, vector<2000x16xf32>,
    return
  }
  func.func @transform_0(%arg0: i32) -> (i32, i32) {
    %c0_i32 = arith.constant 0 : i32
    %c0_i32_0 = arith.constant 0 : i32
    return %arg0, %c0_i32 : i32, i32
  }
  func.func @transform_1(%arg0: i32) -> (i32, i32) {
    %c0_i32 = arith.constant 0 : i32
    %c0_i32_0 = arith.constant 0 : i32
    %c0_i32_1 = arith.constant 0 : i32
    return %c0_i32, %c0_i32_0 : i32, i32
  }
  func.func @transform_2(%arg0: i32) -> (i32, i32) {
    %c0_i32 = arith.constant 0 : i32
    %c0_i32_0 = arith.constant 0 : i32
    %c0_i32_1 = arith.constant 0 : i32
    return %c0_i32, %c0_i32_0 : i32, i32
  }
  func.func @transform_3(%arg0: i32) -> (i32, i32) {
    %c0_i32 = arith.constant 0 : i32
    %c0_i32_0 = arith.constant 0 : i32
    %c0_i32_1 = arith.constant 0 : i32
    return %c0_i32, %c0_i32_0 : i32, i32
  }
  func.func @transform_4(%arg0: i32) -> (i32, i32) {
    %c0_i32 = arith.constant 0 : i32
    %c0_i32_0 = arith.constant 0 : i32
    %c0_i32_1 = arith.constant 0 : i32
    return %c0_i32, %c0_i32_0 : i32, i32
  }
  func.func @transform_5(%arg0: i32) -> (i32, i32) {
    %c0_i32 = arith.constant 0 : i32
    %c0_i32_0 = arith.constant 0 : i32
    return %arg0, %c0_i32 : i32, i32
  }
  func.func @transform_6(%arg0: i32) -> (i32, i32) {
    %c0_i32 = arith.constant 0 : i32
    %c0_i32_0 = arith.constant 0 : i32
    return %arg0, %c0_i32 : i32, i32
  }
  func.func @transform_7(%arg0: i32) -> (i32, i32) {
    %c0_i32 = arith.constant 0 : i32
    %c0_i32_0 = arith.constant 0 : i32
    return %arg0, %c0_i32 : i32, i32
  }
}

module attributes {stable_mosaic.version = 14 : i64} {
  func.func @_post_body(%arg0: memref<2x10000x64xf32, #tpu.memory_space<vmem>>, %arg1: memref<5x50xf32, #tpu.memory_space<vmem>>, %arg2: memref<10000x1xi32, #tpu.memory_space<vmem>>, %arg3: memref<1x50xf32, #tpu.memory_space<vmem>>, %arg4: memref<50x1xf32, #tpu.memory_space<vmem>>, %arg5: memref<1x1xf32, #tpu.memory_space<vmem>>, %arg6: memref<64x50xf32, #tpu.memory_space<vmem>>, %arg7: memref<64x1xf32, #tpu.memory_space<vmem>>) attributes {dimension_semantics = [], scalar_prefetch = 0 : i64, scratch_operands = 0 : i64, tpu.core_type = #tpu.core_type<tc>} {
    %get3A = arith.constant 0 : index
    %get3A_0 = arith.constant 0 : index
    %get3A_1 = arith.constant 0 : index
    %get3A_2 = vector.load %arg0[%get3A, %get3A_0, %get3A_1] : memref<2x10000x64xf32, #tpu.memory_space<vmem>>, vector<1x10000x64xf32>
    %get3A_3 = vector.shape_cast %get3A_2 : vector<1x10000x64xf32> to vector<10000x64xf32>
    %get3A_4 = arith.constant 1 : index
    %get3A_5 = arith.constant 0 : index
    %get3A_6 = arith.constant 0 : index
    %get3A_7 = vector.load %arg0[%get3A_4, %get3A_5, %get3A_6] : memref<2x10000x64xf32, #tpu.memory_space<vmem>>, vector<1x10000x64xf32>
    %get3A_8 = vector.shape_cast %get3A_7 : vector<1x10000x64xf32> to vector<10000x64xf32>
    %add3A = arith.addf %get3A_3, %get3A_8 : vector<10000x64xf32>
    %slice3A = vector.extract_strided_slice %add3A {offsets = [0, 50], sizes = [10000, 5], strides = [1, 1]} : vector<10000x64xf32> to vector<10000x5xf32>
    %get3A_9 = arith.constant 0 : index
    %get3A_10 = arith.constant 0 : index
    %get3A_11 = vector.load %arg1[%get3A_9, %get3A_10] : memref<5x50xf32, #tpu.memory_space<vmem>>, vector<5x50xf32>
    %dot_general3A = arith.constant dense<0.000000e+00> : vector<10000x50xf32>
    %dot_general3A_12 = tpu.matmul %slice3A, %get3A_11, %dot_general3A {dimension_numbers = #tpu.dot_dimension_numbers<[1], [0], [0], [1], [0, 0, 1, 1], [], []>, transpose_lhs_hint = false} : vector<10000x5xf32>, vector<5x50xf32>, vector<10000x50xf32> -> vector<10000x50xf32>
    %add3A_13 = arith.constant 1.000000e-16 : f32
    %add3A_14 = vector.broadcast %add3A_13 : f32 to vector<10000x50xf32>
    %add3A_15 = arith.addf %dot_general3A_12, %add3A_14 : vector<10000x50xf32>
    %slice3A_16 = vector.extract_strided_slice %add3A {offsets = [0, 0], sizes = [10000, 50], strides = [1, 1]} : vector<10000x64xf32> to vector<10000x50xf32>
    %div3A = arith.divf %slice3A_16, %add3A_15 : vector<10000x50xf32>
    %get3A_17 = arith.constant 0 : index
    %get3A_18 = arith.constant 0 : index
    %get3A_19 = vector.load %arg3[%get3A_17, %get3A_18] : memref<1x50xf32, #tpu.memory_space<vmem>>, vector<1x50xf32>
    %add3A_20 = vector.broadcast %get3A_19 : vector<1x50xf32> to vector<10000x50xf32>
    %add3A_21 = arith.addf %div3A, %add3A_20 : vector<10000x50xf32>
    %gt3A = arith.constant 0.000000e+00 : f32
    %gt3A_22 = vector.broadcast %gt3A : f32 to vector<10000x50xf32>
    %gt3A_23 = arith.cmpf ogt, %add3A_21, %gt3A_22 : vector<10000x50xf32>
    %min3A = arith.constant 0.000000e+00 : f32
    %min3A_24 = vector.broadcast %min3A : f32 to vector<10000x50xf32>
    %min3A_25 = arith.minimumf %add3A_21, %min3A_24 : vector<10000x50xf32>
    %exp3A = math.exp %min3A_25 : vector<10000x50xf32>
    %sub3A = arith.constant 1.000000e+00 : f32
    %sub3A_26 = vector.broadcast %sub3A : f32 to vector<10000x50xf32>
    %sub3A_27 = arith.subf %exp3A, %sub3A_26 : vector<10000x50xf32>
    %select_n3A = arith.select %gt3A_23, %add3A_21, %sub3A_27 : vector<10000x50xi1>, vector<10000x50xf32>
    %iota3A = tpu.iota {dimensions = array<i32: 1>} : vector<1x64xi32>
    %get3A_28 = arith.constant 0 : index
    %get3A_29 = arith.constant 0 : index
    %get3A_30 = vector.load %arg2[%get3A_28, %get3A_29] : memref<10000x1xi32, #tpu.memory_space<vmem>>, vector<10000x1xi32>
    %eq3A = vector.broadcast %get3A_30 : vector<10000x1xi32> to vector<10000x64xi32>
    %eq3A_31 = vector.broadcast %iota3A : vector<1x64xi32> to vector<10000x64xi32>
    %eq3A_32 = arith.cmpi eq, %eq3A, %eq3A_31 : vector<10000x64xi32>
    %convert_element_type3A = arith.extui %eq3A_32 : vector<10000x64xi1> to vector<10000x64xi32>
    %convert_element_type3A_33 = arith.sitofp %convert_element_type3A : vector<10000x64xi32> to vector<10000x64xf32>
    %dot_general3A_34 = arith.constant dense<0.000000e+00> : vector<64x50xf32>
    %dot_general3A_35 = tpu.matmul %convert_element_type3A_33, %select_n3A, %dot_general3A_34 {dimension_numbers = #tpu.dot_dimension_numbers<[0], [0], [1], [1], [0, 1, 1, 1], [], []>, transpose_lhs_hint = false} : vector<10000x64xf32>, vector<10000x50xf32>, vector<64x50xf32> -> vector<64x50xf32>
    %broadcast_in_dim3A = arith.constant 1.000000e+00 : f32
    %broadcast_in_dim3A_36 = vector.broadcast %broadcast_in_dim3A : f32 to vector<10000x1xf32>
    %dot_general3A_37 = arith.constant dense<0.000000e+00> : vector<64x1xf32>
    %dot_general3A_38 = tpu.matmul %convert_element_type3A_33, %broadcast_in_dim3A_36, %dot_general3A_37 {dimension_numbers = #tpu.dot_dimension_numbers<[0], [0], [1], [1], [0, 1, 1, 1], [], []>, transpose_lhs_hint = false} : vector<10000x64xf32>, vector<10000x1xf32>, vector<64x1xf32> -> vector<64x1xf32>
    %max3A = arith.constant 1.000000e+00 : f32
    %max3A_39 = vector.broadcast %max3A : f32 to vector<64x1xf32>
    %max3A_40 = arith.maximumf %dot_general3A_38, %max3A_39 : vector<64x1xf32>
    %div3A_41 = vector.broadcast %max3A_40 : vector<64x1xf32> to vector<64x50xf32>
    %div3A_42 = arith.divf %dot_general3A_35, %div3A_41 : vector<64x50xf32>
    %swap3A = arith.constant 0 : index
    %swap3A_43 = arith.constant 0 : index
    %swap3A_44 = vector.load %arg6[%swap3A, %swap3A_43] : memref<64x50xf32, #tpu.memory_space<vmem>>, vector<64x50xf32>
    tpu.vector_store %arg6[%swap3A, %swap3A_43], %div3A_42 {strides = array<i32>} : memref<64x50xf32, #tpu.memory_space<vmem>>, vector<64x50xf32>,
    %get3A_45 = arith.constant 0 : index
    %get3A_46 = arith.constant 0 : index
    %get3A_47 = vector.load %arg4[%get3A_45, %get3A_46] : memref<50x1xf32, #tpu.memory_space<vmem>>, vector<50x1xf32>
    %dot_general3A_48 = arith.constant dense<0.000000e+00> : vector<64x1xf32>
    %dot_general3A_49 = tpu.matmul %div3A_42, %get3A_47, %dot_general3A_48 {dimension_numbers = #tpu.dot_dimension_numbers<[1], [0], [0], [1], [0, 0, 1, 1], [], []>, transpose_lhs_hint = false} : vector<64x50xf32>, vector<50x1xf32>, vector<64x1xf32> -> vector<64x1xf32>
    %get3A_50 = arith.constant 0 : index
    %get3A_51 = arith.constant 0 : index
    %get3A_52 = vector.load %arg5[%get3A_50, %get3A_51] : memref<1x1xf32, #tpu.memory_space<vmem>>, vector<1x1xf32>
    %add3A_53 = vector.broadcast %get3A_52 : vector<1x1xf32> to vector<64x1xf32>
    %add3A_54 = arith.addf %dot_general3A_49, %add3A_53 : vector<64x1xf32>
    %logistic3A = arith.negf %add3A_54 : vector<64x1xf32>
    %logistic3A_55 = math.exp %logistic3A : vector<64x1xf32>
    %logistic3A_56 = arith.constant 1.000000e+00 : f32
    %logistic3A_57 = vector.broadcast %logistic3A_56 : f32 to vector<64x1xf32>
    %logistic3A_58 = arith.addf %logistic3A_57, %logistic3A_55 : vector<64x1xf32>
    %logistic3A_59 = arith.divf %logistic3A_57, %logistic3A_58 : vector<64x1xf32>
    %swap3A_60 = arith.constant 0 : index
    %swap3A_61 = arith.constant 0 : index
    %swap3A_62 = vector.load %arg7[%swap3A_60, %swap3A_61] : memref<64x1xf32, #tpu.memory_space<vmem>>, vector<64x1xf32>
    tpu.vector_store %arg7[%swap3A_60, %swap3A_61], %logistic3A_59 {strides = array<i32>} : memref<64x1xf32, #tpu.memory_space<vmem>>, vector<64x1xf32>,
    return
  }
}

</mosaic_0001>

<sc_bundles>
// kernel: kernel.5.cloned.1.call-start
scs
__scs_entry_jumppad:
0x0: {  	(pc) =	sbr.rel $0x88, $3  }
0x1: {  	(tag) =	ssettag $0x0;
	lr =	simm.s32 $0x1  }
0x2: {  	[smem:$0x3F98] =	sst lr;
	_ =	strace $0xD0000000  }
0x3: {  	_ = 	snop  }
0x4: {  	_ = 	snop  }
0x5: {  	_ = 	snop  }
0x6: {  	_ = 	snop  }
0x7: {  	_ = 	snop  }
__scs_overlays_trampoline_lowered:
0x8: {  	[smem:$0x3FA7] =	sst s0  }
0x9: {  	[smem:$0x3FA8] =	sst s1  }
0xa: {  	[smem:$0x3FA9] =	sst s2  }
0xb: {  	[smem:$0x3FAA] =	sst s3  }
0xc: {  	[smem:$0x3FAB] =	sst s4  }
0xd: {  	[smem:$0x3FAC] =	sst s5  }
0xe: {  	[smem:$0x3FAD] =	sst s6  }
0xf: {  	[smem:$0x3FAE] =	sst s7  }
0x10: {  	[smem:$0x3FAF] =	sst s8  }
0x11: {  	[smem:$0x3FB0] =	sst s9;
	s0 =	simm.s32 @!p0 $0x0  }
0x12: {  	s1 =	sld [smem:$0x3F96];
	s0 =	simm.s32 @p0 $0x1  }
0x13: {  	[smem:$0x3FB1] =	sst s0;
	s0 =	simm.s32 @!p1 $0x0  }
0x14: {  	s2 =	sld [smem:$0x3F95];
	s0 =	simm.s32 @p1 $0x1  }
0x15: {  	[smem:$0x3FB2] =	sst s0;
	s0 =	simm.s32 @!p2 $0x0  }
0x16: {  	s3 =	sld [smem:$0x3FDB];
	s0 =	simm.s32 @p2 $0x1  }
0x17: {  	s4 =	simm.s32 $0x1BF5;
	[smem:$0x3FB4] =	sst s0  }
0x18: {  	s0 =	sld [smem:$0x3F97];
	_ =	swait.ge [sflag:s4], $0x0  }
0x19: {  	s7 =	sld [smem:$0x3F98]  }
0x1a: {  	s8 =	sadd.s32 $0xFFFFE003, lr  }
0x1b: {  	s9 =	sadd.s32 $0xFFFFFEF7, lr;
	s5 =	simm.s32 $0xFFFFFFFF;
	p2 =	slt.u32 s8, $0xFFFFF086  }
0x1c: {  	p1 =	slt.u32 s9, $0xF7A;
	s5 =	simm.s32 @!p2 $0x0  }
0x1d: {  	s5 =	simm.s32 @p1 $0x1;
	p0 =	seq.s32 s7, s2  }
0x1e: {  	s7 =	smul.u32 @!p0 $0xF7A, s2;
	p2 =	seq.s32 @!p0 s5, $0x0  }
0x1f: {  	s9 =	smul.u32 $0xF7A, s1;
	s8 =	simm.s32 @!p0 $0x1BF5;
	p2 =	por !p2, p0  }
0x20: {  	[sflag:s8] =	ssyncset.s32 @!p0 $0xFFFFF086;
	s6 =	sadd.s32 @!p0 s3, s7;
	s7 =	simm.s32 @!p0 $0x108  }
0x21: {  	s3 =	sadd.s32 s3, s9;
	s6 =	sadd.s32 @!p0 $0x88, s6;
	s7 =	simm.s32 @p2 $0x1082  }
0x22: {  	[simem:s7], [sflag:s8] =	dma.local @!p0 [hbm:s6], $0xF7A  }
0x23: {  	s9 =	sor.u32 $0xD0000000, s2;
	s6 =	simm.s32 $0x108;
	_ =	swait.ge @!p0 [sflag:s8], $0x0  }
0x24: {  	s3 =	sadd.s32 $0x88, s3;
	s6 =	simm.s32 @!p1 $0x1082;
	[sflag:s4] =	ssyncset.s32 $0xFFFFF086  }
0x25: {  	[simem:s6], [sflag:s4] =	dma.local [hbm:s3], $0xF7A  }
0x26: {  	[smem:$0x3F98] =	sst s1;
	(tag) =	ssettag s2;
	_ =	strace s9  }
0x27: {  	s1 =	sld [smem:$0x3FA8]  }
0x28: {  	s2 =	sld [smem:$0x3FA9]  }
0x29: {  	s4 =	sld [smem:$0x3FAB]  }
0x2a: {  	p0 =	seq.s32 s5, $0x0;
	s5 =	sld [smem:$0x3FAC]  }
0x2b: {  	s6 =	sld [smem:$0x3FAD]  }
0x2c: {  	s7 =	sld [smem:$0x3FAE]  }
0x2d: {  	s3 =	simm.s32 $0x108;
	s8 =	sld [smem:$0x3FAF]  }
0x2e: {  	s3 =	simm.s32 @!p0 $0x1082;
	s9 =	sld [smem:$0x3FB0]  }
0x2f: {  	lr =	sadd.s32 s0, s3;
	s0 =	sld [smem:$0x3FA7]  }
0x30: {  	s3 =	sld [smem:$0x3FAA]  }
0x31: {  	[smem:$0x3FB3] =	sst s10  }
0x32: {  	s10 =	sld [smem:$0x3FB1];
	_ =	sdelay $0x3  }
0x33: {  	p0 =	seq.s32 s10, $0x1;
	s10 =	sld [smem:$0x3FB3];
	_ =	sdelay $0x3  }
0x34: {  	[smem:$0x3FB3] =	sst s10  }
0x35: {  	s10 =	sld [smem:$0x3FB2];
	_ =	sdelay $0x3  }
0x36: {  	p1 =	seq.s32 s10, $0x1;
	s10 =	sld [smem:$0x3FB3];
	_ =	sdelay $0x3  }
0x37: {  	[smem:$0x3FB3] =	sst s10  }
0x38: {  	s10 =	sld [smem:$0x3FB4]  }
0x39: {  	_ = 	snop;
	(pc) =	sbr.ind lr, $3  }
0x3a: {  	_ = 	snop  }
0x3b: {  	_ = 	snop  }
0x3c: {  	p2 =	seq.s32 s10, $0x1;
	s10 =	sld [smem:$0x3FB3]  }
0x3d: {  	_ =	shalt  }
0x3e: {  	_ =	shalt  }
0x3f: {  	_ =	shalt  }
0x40: {  	_ =	shalt  }
0x41: {  	_ =	shalt  }
0x42: {  	_ =	shalt  }
0x43: {  	_ =	shalt  }
0x44: {  	_ =	shalt  }
0x45: {  	_ =	shalt  }
0x46: {  	_ =	shalt  }
0x47: {  	_ =	shalt  }
0x48: {  	_ =	shalt  }
0x49: {  	_ =	shalt  }
0x4a: {  	_ =	shalt  }
0x4b: {  	_ =	shalt  }
0x4c: {  	_ =	shalt  }
0x4d: {  	_ =	shalt  }
0x4e: {  	_ =	shalt  }
0x4f: {  	_ =	shalt  }
0x50: {  	_ =	shalt  }
0x51: {  	_ =	shalt  }
0x52: {  	_ =	shalt  }
0x53: {  	_ =	shalt  }
0x54: {  	_ =	shalt  }
0x55: {  	_ =	shalt  }
0x56: {  	_ =	shalt  }
0x57: {  	_ =	shalt  }
0x58: {  	_ =	shalt  }
0x59: {  	_ =	shalt  }
0x5a: {  	_ =	shalt  }
0x5b: {  	_ =	shalt  }
0x5c: {  	_ =	shalt  }
0x5d: {  	_ =	shalt  }
0x5e: {  	_ =	shalt  }
0x5f: {  	_ =	shalt  }
0x60: {  	_ =	shalt  }
0x61: {  	_ =	shalt  }
0x62: {  	_ =	shalt  }
0x63: {  	_ =	shalt  }
0x64: {  	_ =	shalt  }
0x65: {  	_ =	shalt  }
0x66: {  	_ =	shalt  }
0x67: {  	_ =	shalt  }
0x68: {  	_ =	shalt  }
0x69: {  	_ =	shalt  }
0x6a: {  	_ =	shalt  }
0x6b: {  	_ =	shalt  }
0x6c: {  	_ =	shalt  }
0x6d: {  	_ =	shalt  }
0x6e: {  	_ =	shalt  }
0x6f: {  	_ =	shalt  }
0x70: {  	_ =	shalt  }
0x71: {  	_ =	shalt  }
0x72: {  	_ =	shalt  }
0x73: {  	_ =	shalt  }
0x74: {  	_ =	shalt  }
0x75: {  	_ =	shalt  }
0x76: {  	_ =	shalt  }
0x77: {  	_ =	shalt  }
0x78: {  	_ =	shalt  }
0x79: {  	_ =	shalt  }
0x7a: {  	_ =	shalt  }
0x7b: {  	_ =	shalt  }
0x7c: {  	_ =	shalt  }
0x7d: {  	_ =	shalt  }
0x7e: {  	_ =	shalt  }
0x7f: {  	_ =	shalt  }
0x80: {  	_ =	shalt  }
0x81: {  	_ =	shalt  }
0x82: {  	_ =	shalt  }
0x83: {  	_ =	shalt  }
0x84: {  	_ =	shalt  }
0x85: {  	_ =	shalt  }
0x86: {  	_ =	shalt  }
0x87: {  	_ =	shalt  }
.Lfunc_end0:
.L_simem_size_0:
called_computation_lowered:
.L_overlay_start_0:
0x88: {  	s2 =	sld [smem:$0x3FD9]  }
0x89: {  	s3 =	sld [smem:$0x3FFE];
	_ =	sdelay $0x1  }
0x8a: {  	s1 =	srdreg.scid  }
0x8b: {  	s0 =	sand.u32 $0x1, s1  }
0x8c: {  	s16 =	sshll.u32 s0, $0xA;
	s2 =	sadd.s32 s3, s2  }
0x8d: {  	s2 =	sadd.s32 s2, s16  }
0x8e: {  	[smem:$0x3FBF] =	sst s2  }
0x8f: {  	_ = 	snop  }
0x90: {  	(tm) =	ssettm $0x1  }
0x91: {  	s17 =	sld [smem:$0x3FFB];
	_ =	sdelay $0x3  }
0x92: {  	_ =	strace s17  }
0x93: {  	s2 =	sld [smem:$0x3FFC];
	_ =	sdelay $0x3  }
0x94: {  	_ =	strace s2  }
0x95: {  	s2 =	sld [smem:$0x3FFD];
	_ =	sdelay $0x3  }
0x96: {  	_ =	strace s2  }
0x97: {  	_ =	strace $0x8FFFFFFF  }
0x98: {  	s18 =	sld [smem:$0x3FDB];
	_ =	sdelay $0x1  }
0x99: {  	s19 =	simm.s32 $_scs_section_size  }
0x9a: {  	s4 =	simm.s32 $_size__tile_overlayer_lowered;
	s5 =	simm.s32 $_tile_overlayer_lowered  }
0x9b: {  	s22 =	simm.s32 $0x1BFF;
	s21 =	sshll.u32 s5, $0x1;
	s2 =	sadd.s32 s19, s18  }
0x9c: {  	s6 =	simm.s32 $0x0;
	s20 =	sshll.u32 s4, $0x1;
	s4 =	sadd.s32 s21, s2  }
0x9d: {  	[timem:s6], [sflag:s22] =	dma.local [hbm:s4], s20  }
0x9e: {  	_ =	swait.ge [sflag:s22], s20  }
0x9f: {  	s3 =	ssub.s32 $0x0, s20;
	[sflag:s22] =	ssyncset.done $0x0  }
0xa0: {  	[sflag:s22] =	ssyncadd.s32 s3;
	_ =	sdelay $0x1  }
0xa1: {  	s23 =	simm.s32 $0x1B8B  }
0xa2: {  	_ =	swait.ge [sflag:s23], $0x1  }
0xa3: {  	[sflag:s23] =	ssyncset.done $0x0  }
0xa4: {  	s25 =	simm.s32 $0x1B8E;
	s24 =	sld [smem:$0x3FFE];
	[sflag:s23] =	ssyncadd.s32 $0xFFFFFFFF  }
0xa5: {  	s26 =	simm.s32 $execute0_lowered;
	[smem:$0x3FD2] =	sst s25  }
0xa6: {  	s4 =	sshll.u32 s26, $0x1;
	_ =	strace $0x80000046;
	[dreg:$0x1] =	wrdreg $0xFFFFFFFF  }
0xa7: {  	s28 =	simm.s32 $_size_execute0_lowered;
	s2 =	sadd.s32 s2, s4;
	[dreg:$0x0] =	wrdreg $0x0  }
0xa8: {  	s4 =	sshll.u32 s28, $0x1;
	[dreg:$0x2] =	wrdreg s2  }
0xa9: {  	[dreg:$0x3] =	wrdreg s4  }
0xaa: {  	[dreg:$0x4] =	wrdreg $0xC0  }
0xab: {  	_ =	task [dreg:s6], $0x5FFFF  }
0xac: {  	[dreg:$0x1] =	wrdreg $0xFFFFFFFF  }
0xad: {  	[dreg:$0x0] =	wrdreg $0x60  }
0xae: {  	[dreg:$0x2] =	wrdreg s24  }
0xaf: {  	[dreg:$0x3] =	wrdreg $0x130B00  }
0xb0: {  	[dreg:$0x4] =	wrdreg $0x9  }
0xb1: {  	_ =	task.clear_ibuf [dreg:s6], $0x5FFFF;
	_ =	strace $0x90000046  }
0xb2: {  	s29 =	simm.s32 $0x9;
	_ =	strace $0x80000048  }
0xb3: {  	_ =	swait.ge [sflag:s29], $0x1  }
0xb4: {  	[sflag:s29] =	ssyncadd.s32 $0xFFFFFFFF  }
0xb5: {  	_ =	strace $0x90000048  }
0xb6: {  	_ =	sfence  }
0xb7: {  	s30 =	sld [smem:$0x0];
	_ =	sdelay $0x2  }
0xb8: {  	s31 =	sshll.u32 s1, $0xD;
	s1 =	sshrl.u32 s1, $0x2  }
0xb9: {  	s3 =	sand.u32 $0x4000, s31;
	s1 =	sadd.s32 s1, s30  }
0xba: {  	s0 =	sor.u32 s3, s0;
	s1 =	sshll.u32 s1, $0x11  }
0xbb: {  	s0 =	sor.u32 s1, s0  }
0xbc: {  	s0 =	sadd.s32 $0x8F2B, s0  }
0xbd: {  	[sflag:s0] =	ssyncadd.remote.s32 $0x1  }
0xbe: {  	_ =	sfence.sel $0xFFFF  }
0xbf: {  	[dreg:$0x0] =	wrdreg $0xFFFFFFFF;
	(pc) =	sbr.abs _section_cstart, $3  }
0xc0: {  	[dreg:$0x1] =	wrdreg $0xFFFFFFFF  }
0xc1: {  	_ =	task.clear_ibuf [dreg:s6], $0x2FFFF;
	_ =	strace $0x9FFFFFFF  }
0xc2: {  	(tm) =	ssettm $0x7FFFFFFF  }
0xc3: {  	_ =	shalt  }
tec
execute0_lowered:
.L_overlay_start_1:
0x0: {  	(tag) =	ssettag $0x1  }
0x1: {  	s0 =	rddreg [dreg:$0x0];
	s1 =	srdreg.scid  }
0x2: {  	s15 =	stileid.u32;
	s2 =	rddreg [dreg:$0x1];
	s3 =	simm.s32 $0x0  }
0x3: {  	s19 =	simm.s32 $0x7;
	s21 =	simm.s32 $0xC8;
	s28 =	simm.s32 $0x12F20  }
0x4: {  	s29 =	simm.s32 $0x7D00;
	s30 =	simm.s32 $0x2;
	s31 =	simm.s32 $0x4  }
0x5: {  	s20 =	simm.s32 $0x0;
	s1 =	sand.u32 $0x1, s1;
	s4 =	sshll.u32 s15, $0x1  }
0x6: {  	[smem:$0x7FF] =	sst s3;
	s8 =	smul.u32 $0xA000, s15;
	s5 =	sadd.s32 $0x14600, s0  }
0x7: {  	s6 =	sadd.s32 $0x28000, s0;
	s7 =	sadd.s32 $0x2D000, s0;
	s14 =	sadd.s32 $0x40C00, s0  }
0x8: {  	p0 =	seq.s32 s15, $0xF;
	s4 =	sor.u32 s1, s4;
	_ =	strace $0x80000047  }
0x9: {  	s12 =	ssub.s32 $0x2, s1;
	s1 =	smul.u32 $0x9C400, s1;
	s11 =	sshrl.u32 s8, $0x3  }
0xa: {  	s4 =	smul.u32 $0x2710, s4;
	s13 =	sshrl.u32 s12, $0x1;
	s11 =	sadd.s32 s11, s0  }
0xb: {  	s12 =	ssub.s32 s12, s13;
	s13 =	sadd.s32 s8, s2;
	s23 =	sadd.s32 s8, s1  }
0xc: {  	s1 =	sshrl.u32 s1, $0x3;
	s9 =	sshrl.u32 s4, $0x3;
	s11 =	sadd.s32 $0xC00, s11  }
0xd: {  	s25 =	sadd.s32 s14, s1;
	s26 =	smax.u32 s12, $0x1;
	s12 =	sshrl.u32 @!p0 s13, $0x3  }
0xe: {  	s1 =	simm.s32 $0x12FE8;
	s10 =	sadd.s32 s9, s0;
	[dreg:$0x3] =	wrdreg s11  }
0xf: {  	v0 =	vimm.s32 $0xCBA987BB;
	s11 =	sadd.s32 $0x96000, s2;
	s0 =	sadd.s32 $0x13800, s0;
	[dreg:$0x9] =	wrdreg s26  }
0x10: {  	vm0 =	vcmask $0x2700;
	v1 =	vunpack.c.l.s4.s8 v0;
	s24 =	sadd.s32 s7, s9;
	s26 =	simm.s32 $0x7080;
	[dreg:$0xb] =	wrdreg s12  }
0x11: {  	vm1 =	vcmask $0xF00;
	v2 =	vimm.s32 $0xA;
	vm13 =	vcmask $0x3710;
	[dreg:$0x4] =	wrdreg s0;
	s22 =	sadd.s32 $0x36E00, s10;
	s0 =	sshrl.u32 s23, $0x3  }
0x12: {  	v3 =	vlaneseq.u32;
	v4 =	vimm.s32 $0xF0F0E0D;
	v1 =	vunpack.c.0.s8.s32 v1;
	[dreg:$0x6] =	wrdreg s24;
	s10 =	sshrl.u32 @p0 s11, $0x3;
	s0 =	sadd.s32 s14, s0  }
0x13: {  	vm14 =	vcmask $0x1F00;
	vm15 =	vcmask $0x2F20;
	v0 =	vimm.s32 $0x8;
	s23 =	simm.s32 $0x1;
	[dreg:$0x7] =	wrdreg s0;
	s0 =	sadd.s32 $0x12C00, s25  }
0x14: {  	v2 =	vsel vm1, $0x8, v2;
	v4 =	vunpack.c.0.s8.s32 v4;
	v1 =	vand.u32 $0xF, v1;
	s24 =	simm.s32 $0x3;
	[dreg:$0x8] =	wrdreg s0;
	s0 =	sshll.u32 @!p0 s15, $0x6  }
0x15: {  	v3 =	vshrl.u32 v3, $0x3;
	v0 =	vsel vm0, $0x7, v0;
	v5 =	vnsel vm14, $0xF, v1;
	[dreg:$0x5] =	wrdreg s22;
	s22 =	simm.s32 $0x6400;
	s11 =	sor.u32 @!p0 $0x1C07, s0  }
0x16: {  	v1 =	vsel vm13, $0x9, v2;
	v2 =	vor.u32 $0xA, v3;
	v3 =	vsel vm15, v4, v5;
	s25 =	simm.s32 $0x3200;
	s0 =	simm.s32 $0xAF00;
	[dreg:$0xa] =	wrdreg s11  }
.LBB2_1:
0x17: {  	s8 =	simm.s32 @p0 $0x1FC7;
	s9 =	rddreg [dreg:$0x4]  }
0x18: {  	[spmem:s10], [sflag:s8] =	dma.local @p0 [hbm:s9], $0xC80  }
0x19: {  	s8 =	simm.s32 @p0 $0x7  }
0x1a: {  	_ =	swait.ge @p0 [sflag:s8], $0xC80  }
0x1b: {  	[sflag:s8] =	ssyncset.done @p0 $0x0  }
0x1c: {  	[sflag:s8] =	ssyncadd.s32 @p0 $0xFFFFF380;
	s8 =	rddreg [dreg:$0x3]  }
0x1d: {  	[spmem:s12], [sflag:s11] =	dma.local @!p0 [hbm:s8], $0x1400  }
0x1e: {  	s8 =	simm.s32 @!p0 $0x7  }
0x1f: {  	_ =	swait.ge @!p0 [sflag:s8], $0x1400  }
0x20: {  	[sflag:s8] =	ssyncset.done @!p0 $0x0  }
0x21: {  	[sflag:s8] =	ssyncadd.s32 @!p0 $0xFFFFEC00  }
0x22: {  	[bflag:$0x0] =	sbarrier.arrive $0xFFFF  }
0x23: {  	s15 =	simm.s32 $0xE100;
	s14 =	rddreg [dreg:$0x5]  }
0x24: {  	[tilespmem:s15], [sflag:$0x7] =	stream.linear.gather [hbm4b:s14+s3], $0x2710, $0x38;
	[tilespmem:$0x1CCF0] =	vst v63  }
0x25: {  	_ =	swait.ge [sflag:s19], $0x2710  }
0x26: {  	[sflag:s19] =	ssyncset.done $0x0  }
0x27: {  	s18 =	simm.s32 $0x10810;
	s16 =	rddreg [dreg:$0x6];
	[sflag:s19] =	ssyncadd.s32 $0xFFFFD8F0  }
0x28: {  	[tilespmem:s18], [sflag:$0x7] =	stream.linear.gather [hbm4b:s16+s3], $0x2710, $0x38;
	[tilespmem:$0x1CCF0] =	vst v63  }
0x29: {  	_ =	swait.ge [sflag:s19], $0x2710  }
0x2a: {  	[sflag:s19] =	ssyncset.done $0x0  }
0x2b: {  	[sflag:s19] =	ssyncadd.s32 $0xFFFFD8F0  }
0x2c: {  	[tilespmem:s3], [sflag:$0x1] =	stream.indirect.gather [hbm4b:s5+s21], $0x40, s15, s21, $0xb8;
	[tilespmem:$0x1CCF0] =	vst v63  }
0x2d: {  	s17 =	smov.u32 s10;
	s9 =	simm.s32 $0x0  }
0x2e: {  	[tilespmem:s22], [sflag:$0x3] =	stream.indirect.gather [hbm4b:s6+s21], $0x10, s18, s21, $0xb8;
	[tilespmem:$0x1CCF0] =	vst v63  }
.LBB2_2:
0x2f: {  	_ =	swait.ge [sflag:s23], $0x3200  }
0x30: {  	[sflag:s23] =	ssyncset.done $0x0  }
0x31: {  	[sflag:s23] =	ssyncadd.s32 $0xFFFFCE00  }
0x32: {  	_ =	swait.ge [sflag:s24], $0xC80  }
0x33: {  	p1 =	seq.s32 s9, $0x0;
	[sflag:s24] =	ssyncset.done $0x0  }
0x34: {  	s8 =	simm.s32 @!p1 $0x5;
	[sflag:s24] =	ssyncadd.s32 $0xFFFFF380  }
0x35: {  	s11 =	smul.u32 $0x190, s9;
	_ =	swait.ge @!p1 [sflag:s8], $0x3200  }
0x36: {  	[sflag:s8] =	ssyncset.done @!p1 $0x0  }
0x37: {  	s14 =	sadd.s32 $0xE1C8, s11;
	[sflag:s8] =	ssyncadd.s32 @!p1 $0xFFFFCE00  }
0x38: {  	[tilespmem:s25], [sflag:$0x2] =	stream.indirect.gather [hbm4b:s5+s21], $0x40, s14, s21, $0xb8;
	[tilespmem:$0x1CCF0] =	vst v63  }
0x39: {  	s10 =	simm.s32 $0x6440;
	s15 =	sadd.s32 $0x108D8, s11  }
0x3a: {  	[tilespmem:s26], [sflag:$0x4] =	stream.indirect.gather [hbm4b:s6+s21], $0x10, s15, s21, $0xb8;
	[tilespmem:$0x1CCF0] =	vst v63  }
0x3b: {  	v4 =	vld [tilespmem:s10+$0xFFFFFFC0]  }
0x3c: {  	s16 =	simm.s32 $0x100;
	v5 =	vld [tilespmem:s10+$0x20]  }
0x3d: {  	v11 =	vld [tilespmem:s16+$0xFFFFFF70]  }
0x3e: {  	v6 =	vld [tilespmem:s16+$0xFFFFFF30]  }
0x3f: {  	v8 =	vld [tilespmem:s16+$0x30]  }
0x40: {  	v7 =	vld [tilespmem:s10+$0xFFFFFFF0]  }
0x41: {  	v10 =	vld [tilespmem:s10+$0x30]  }
0x42: {  	v12 =	vld [tilespmem:s10+$0x0]  }
0x43: {  	v14 =	vld [tilespmem:s16+$0xF0]  }
0x44: {  	v13 =	vld [tilespmem:s10+$0x10]  }
0x45: {  	v17 =	vld [tilespmem:s16+$0x70];
	v4 =	vadd.f32 v4, v6  }
0x46: {  	v15 =	vld [tilespmem:s10+$0xFFFFFFD0]  }
0x47: {  	v19 =	vld [tilespmem:s16+$0xB0];
	v18 =	vmul.f32 $2.000000030e-01, v4  }
0x48: {  	v16 =	vld [tilespmem:s16+$0xFFFFFFF0]  }
0x49: {  	v9 =	vld [tilespmem:s16+$0xFFFFFFB0];
	v12 =	vadd.f32 v12, v8;
	v4 =	vmax.f32 v4, v18  }
0x4a: {  	v10 =	vadd.f32 v10, v14;
	v18 =	vld [tilespmem:s10+$0xFFFFFFE0];
	v4 =	vmul.f32 $1.442695020e+00, v4  }
0x4b: {  	v13 =	vadd.f32 v13, v17;
	v20 =	vmul.f32 $2.000000030e-01, v12  }
0x4c: {  	v15 =	vadd.f32 v15, v11;
	v21 =	vmul.f32 $2.000000030e-01, v10;
	(erf) = vpow2.f32 v4  }
0x4d: {  	v5 =	vadd.f32 v5, v19;
	v7 =	vadd.f32 v7, v16;
	v4 =	vmax.f32 v12, v20  }
0x4e: {  	v10 =	vmax.f32 v10, v21;
	v12 =	vmul.f32 $2.000000030e-01, v15;
	v4 =	vmul.f32 $1.442695020e+00, v4  }
0x4f: {  	v10 =	vmul.f32 $1.442695020e+00, v10;
	v20 =	vmul.f32 $2.000000030e-01, v13;
	v18 =	vadd.f32 v18, v9  }
0x50: {  	v12 =	vmax.f32 v15, v12;
	(erf) = vpow2.f32 v4;
	v4 =	vmul.f32 $2.000000030e-01, v7  }
0x51: {  	v12 =	vmul.f32 $1.442695020e+00, v12;
	(erf) = vpow2.f32 v10  }
0x52: {  	v13 =	vmax.f32 v13, v20;
	v10 =	vmul.f32 $2.000000030e-01, v5;
	v15 =	vmul.f32 $2.000000030e-01, v18  }
0x53: {  	v22 =	vld [tilespmem:s16+$0xFFFFFF80];
	v4 =	vmax.f32 v7, v4;
	v7 =	vmul.f32 $1.442695020e+00, v13;
	(erf) = vpow2.f32 v12  }
0x54: {  	v13 =	vld [tilespmem:s16+$0xFFFFFF00];
	v5 =	vmax.f32 v5, v10;
	v10 =	vmax.f32 v18, v15;
	v4 =	vmul.f32 $1.442695020e+00, v4  }
0x55: {  	v23 =	vld [tilespmem:s16+$0xFFFFFF40];
	v5 =	vmul.f32 $1.442695020e+00, v5;
	v10 =	vmul.f32 $1.442695020e+00, v10;
	v20 =	vpop (erf)  }
0x56: {  	v27 =	vld [tilespmem:s16+$0x80];
	(erf) = vpow2.f32 v7;
	v7 =	vperm.xlane v20, v0  }
0x57: {  	s18 =	simm.s32 $0x64C0;
	v28 =	vld [tilespmem:s16+$0x40];
	(erf) = vpow2.f32 v5;
	v5 =	vperm.xlane v20, v3  }
0x58: {  	v33 =	vld [tilespmem:s18+$0xFFFFFFC0];
	v26 =	vperm.xlane v20, v2;
	v20 =	vperm.xlane v20, v1  }
0x59: {  	v34 =	vld [tilespmem:s18+$0x20];
	(erf) = vpow2.f32 v10;
	v7 =	vmul.f32 v7, v13  }
0x5a: {  	s13 =	simm.s32 $0x7E00;
	v10 =	vld [tilespmem:s16+$0x0];
	(erf) = vpow2.f32 v4;
	v24 =	vpop (erf);
	v25 =	vmul.f32 v5, v6  }
0x5b: {  	v18 =	vld [tilespmem:s16+$0xC0];
	v47 =	vperm.xlane v24, v1;
	v5 =	vpop (erf);
	[tilespmem:s13+$0xFFFFFF00] =	vst v7;
	v7 =	vperm.xlane v24, v0  }
0x5c: {  	v45 =	vld [tilespmem:s18+$0xFFFFFFF0];
	v29 =	vperm.xlane v5, v0;
	v6 =	vperm.xlane v5, v3  }
0x5d: {  	s12 =	simm.s32 $0x300;
	v62 =	vld [tilespmem:s18+$0xFFFFFFE0];
	v13 =	vperm.xlane v5, v2;
	v31 =	vperm.xlane v5, v1;
	v32 =	vpop (erf)  }
0x5e: {  	v4 =	vld [tilespmem:s12+$0xFFFFFFB0];
	v15 =	vperm.xlane v32, v2;
	v35 =	vperm.xlane v32, v0  }
0x5f: {  	v30 =	vld [tilespmem:s16+$0xFFFFFF10];
	v12 =	vmul.f32 v6, v14;
	v6 =	vmul.f32 v7, v10  }
0x60: {  	v48 =	vld [tilespmem:s18+$0x10];
	v10 =	vperm.xlane v24, v3;
	v18 =	vmul.f32 v29, v18;
	v36 =	vpop (erf)  }
0x61: {  	v60 =	vld [tilespmem:s18+$0x30];
	v23 =	vmul.f32 v35, v23;
	v37 =	vperm.xlane v36, v0  }
0x62: {  	v61 =	vld [tilespmem:s18+$0x0];
	v38 =	vpop (erf);
	v51 =	vmul.f32 v10, v8;
	v52 =	vperm.xlane v36, v1  }
0x63: {  	v53 =	vld [tilespmem:s18+$0xFFFFFFD0];
	v35 =	vadd.f32 v62, v4;
	v39 =	vperm.xlane v38, v0;
	v40 =	vperm.xlane v38, v2  }
0x64: {  	v21 =	vld [tilespmem:s16+$0xFFFFFFC0];
	v43 =	vperm.xlane v38, v3;
	v20 =	vmul.f32 v20, v30  }
0x65: {  	v5 =	vld [tilespmem:s12+$0xFFFFFF70];
	v41 =	vpop (erf);
	v29 =	vperm.xlane v38, v1;
	v59 =	vmul.f32 $2.000000030e-01, v35  }
0x66: {  	v14 =	vld [tilespmem:s12+$0xFFFFFF30];
	v42 =	vperm.xlane v41, v2;
	v46 =	vperm.xlane v41, v0  }
0x67: {  	v7 =	vld [tilespmem:s12+$0x30];
	[tilespmem:s13+$0x0] =	vst v6;
	v44 =	vpop (erf);
	v50 =	vperm.xlane v41, v3;
	v28 =	vmul.f32 v37, v28  }
0x68: {  	[tilespmem:s13+$0xC0] =	vst v18;
	v6 =	vld [tilespmem:s16+$0x10];
	v41 =	vperm.xlane v41, v1;
	v30 =	vperm.xlane v44, v2  }
0x69: {  	v10 =	vld [tilespmem:s12+$0xF0];
	[tilespmem:s13+$0xFFFFFF40] =	vst v23;
	v49 =	vperm.xlane v44, v3;
	v19 =	vmul.f32 v43, v19  }
0x6a: {  	v18 =	vld [tilespmem:s16+$0xFFFFFF50];
	v27 =	vmul.f32 v39, v27;
	v39 =	vperm.xlane v44, v1;
	[tilespmem:s13+$0xFFFFFF10] =	vst v20  }
0x6b: {  	v8 =	vmul.f32 v46, v22;
	v63 =	vmul.f32 v50, v9;
	v50 =	vld [tilespmem:s16+$0xFFFFFF20]  }
0x6c: {  	v23 =	vadd.f32 v61, v7;
	v22 =	vperm.xlane v44, v0;
	v9 =	vld [tilespmem:s12+$0xFFFFFFF0];
	[tilespmem:s13+$0x80] =	vst v27;
	v27 =	vperm.xlane v32, v3  }
0x6d: {  	[tilespmem:s13+$0x40] =	vst v28;
	v28 =	vadd.f32 v33, v14;
	v54 =	vmul.f32 v49, v16;
	v47 =	vmul.f32 v47, v6;
	v6 =	vld [tilespmem:s12+$0x70]  }
0x6e: {  	v43 =	vadd.f32 v60, v10;
	v32 =	vperm.xlane v32, v1;
	v60 =	vmul.f32 $2.000000030e-01, v23;
	[tilespmem:s13+$0xFFFFFF80] =	vst v8;
	v8 =	vld [tilespmem:s12+$0xB0]  }
0x6f: {  	[tilespmem:s13+$0xFFFFFF30] =	vst v25;
	v25 =	vadd.f32 v53, v5;
	v21 =	vmul.f32 v22, v21;
	v22 =	vperm.xlane v24, v2;
	v16 =	vld [tilespmem:s16+$0x90]  }
0x70: {  	v24 =	vperm.xlane v36, v3;
	v55 =	vmul.f32 $2.000000030e-01, v28;
	v20 =	vld [tilespmem:s16+$0xFFFFFF90]  }
0x71: {  	v36 =	vperm.xlane v36, v2;
	v61 =	vmul.f32 $2.000000030e-01, v25;
	[tilespmem:s13+$0xFFFFFFC0] =	vst v21;
	v21 =	vld [tilespmem:s16+$0xD0]  }
0x72: {  	v58 =	vmul.f32 $2.000000030e-01, v43;
	v11 =	vmul.f32 v27, v11;
	[tilespmem:s13+$0x10] =	vst v47;
	v28 =	vmax.f32 v28, v55;
	v57 =	vld [tilespmem:s16+$0xFFFFFFD0]  }
0x73: {  	v18 =	vmul.f32 v32, v18;
	v27 =	vld [tilespmem:s16+$0x20];
	v28 =	vmul.f32 $1.442695020e+00, v28  }
0x74: {  	v17 =	vmul.f32 v24, v17;
	v24 =	vadd.f32 v48, v6;
	v16 =	vmul.f32 v29, v16  }
0x75: {  	v26 =	vmul.f32 v26, v50;
	[tilespmem:s13+$0xFFFFFF50] =	vst v18;
	(erf) = vpow2.f32 v28  }
0x76: {  	v29 =	vadd.f32 v34, v8;
	v20 =	vmul.f32 v41, v20;
	v56 =	vmul.f32 $2.000000030e-01, v24;
	[tilespmem:s13+$0x90] =	vst v16  }
0x77: {  	[tilespmem:s13+$0xFFFFFF20] =	vst v26;
	v16 =	vmax.f32 v23, v60;
	v21 =	vmul.f32 v31, v21;
	v31 =	vmax.f32 v43, v58;
	v26 =	vld [tilespmem:s16+$0xA0]  }
0x78: {  	[tilespmem:s13+$0xFFFFFF90] =	vst v20;
	v20 =	vadd.f32 v45, v9;
	v23 =	vmul.f32 v39, v57;
	v18 =	vmul.f32 v22, v27;
	v22 =	vld [tilespmem:s16+$0x50]  }
0x79: {  	v16 =	vmul.f32 $1.442695020e+00, v16;
	v27 =	vmul.f32 $1.442695020e+00, v31;
	v24 =	vmax.f32 v24, v56;
	v28 =	vld [tilespmem:s16+$0xFFFFFFA0];
	[tilespmem:s13+$0xFFFFFFB0] =	vst v63  }
0x7a: {  	v31 =	vld [tilespmem:s16+$0xFFFFFF60];
	v63 =	vmul.f32 $2.000000030e-01, v29;
	[tilespmem:s13+$0xD0] =	vst v21;
	v21 =	vmax.f32 v35, v59;
	v62 =	vmul.f32 $2.000000030e-01, v20  }
0x7b: {  	[tilespmem:s13+$0x30] =	vst v51;
	v24 =	vmul.f32 $1.442695020e+00, v24;
	(erf) = vpow2.f32 v16;
	v16 =	vmax.f32 v25, v61  }
0x7c: {  	[tilespmem:s13+$0xFFFFFFD0] =	vst v23;
	v21 =	vmul.f32 $1.442695020e+00, v21;
	(erf) = vpow2.f32 v27;
	v20 =	vmax.f32 v20, v62  }
0x7d: {  	[tilespmem:s13+$0xFFFFFF70] =	vst v11;
	v25 =	vld [tilespmem:s16+$0xFFFFFFE0];
	v16 =	vmul.f32 $1.442695020e+00, v16;
	v20 =	vmul.f32 $1.442695020e+00, v20  }
0x7e: {  	[tilespmem:s13+$0x20] =	vst v18;
	v23 =	vmul.f32 v40, v26;
	v18 =	vmul.f32 v52, v22;
	v22 =	vld [tilespmem:s16+$0xE0]  }
0x7f: {  	v26 =	vld [tilespmem:s12+$0xFFFFFF00];
	v15 =	vmul.f32 v15, v31;
	[tilespmem:s13+$0xF0] =	vst v12;
	(erf) = vpow2.f32 v16  }
0x80: {  	v12 =	vld [tilespmem:s12+$0xC0];
	v11 =	vmul.f32 v42, v28;
	v27 =	vpop (erf);
	v28 =	vmax.f32 v29, v63;
	(erf) = vpow2.f32 v24;
	[tilespmem:s13+$0x50] =	vst v18  }
0x81: {  	[tilespmem:s13+$0xB0] =	vst v19;
	v18 =	vperm.xlane v27, v3;
	v28 =	vmul.f32 $1.442695020e+00, v28;
	v31 =	vld [tilespmem:s16+$0x60]  }
0x82: {  	[tilespmem:s13+$0xFFFFFFF0] =	vst v54;
	v16 =	vld [tilespmem:s12+$0xFFFFFFC0];
	v29 =	vperm.xlane v27, v0;
	v19 =	vmul.f32 v30, v25  }
0x83: {  	v24 =	vld [tilespmem:s12+$0xFFFFFF40];
	[tilespmem:s13+$0xFFFFFF60] =	vst v15;
	(erf) = vpow2.f32 v28;
	v14 =	vmul.f32 v18, v14  }
0x84: {  	[tilespmem:s13+$0x70] =	vst v17;
	v25 =	vld [tilespmem:s12+$0xFFFFFF80];
	v22 =	vmul.f32 v13, v22;
	(erf) = vpow2.f32 v21  }
0x85: {  	[tilespmem:s13+$0xFFFFFFA0] =	vst v11;
	v26 =	vmul.f32 v29, v26;
	v21 =	vld [tilespmem:s12+$0x0];
	(erf) = vpow2.f32 v20;
	v18 =	vpop (erf)  }
0x86: {  	s18 =	simm.s32 $0x8000;
	v28 =	vld [tilespmem:s12+$0x80];
	v13 =	vperm.xlane v27, v2;
	v17 =	vpop (erf);
	[tilespmem:s13+$0xE0] =	vst v22;
	v31 =	vmul.f32 v36, v31  }
0x87: {  	s8 =	simm.s32 $0x8;
	s14 =	simm.s32 $0x8000;
	v29 =	vld [tilespmem:s12+$0x40];
	[tilespmem:s18+$0xFFFFFF00] =	vst v26;
	v30 =	vperm.xlane v18, v0;
	v15 =	vperm.xlane v17, v3  }
0x88: {  	s15 =	simm.s32 $0x500;
	s10 =	sadd.s32 $0xC8, s11;
	s16 =	simm.s32 $0x6540;
	v26 =	vperm.xlane v17, v0;
	v20 =	vld [tilespmem:s12+$0xFFFFFF10];
	v11 =	vperm.xlane v17, v2;
	[tilespmem:s13+$0x60] =	vst v31  }
.LBB2_3:
0x89: {  	v31 =	vld [tilespmem:s15+$0xFFFFFFB0];
	s8 =	sadd.s32 $0x8, s8;
	v22 =	vperm.xlane v17, v1;
	v15 =	vmul.f32 v15, v10;
	s18 =	sadd.s32 $0x200, s18;
	v32 =	vpop (erf);
	[tilespmem:s13+$0xFFFFFFE0] =	vst v19  }
0x8a: {  	v33 =	vld [tilespmem:s16+$0xFFFFFFC0];
	p2 =	slt.u32 s8, $0xC0;
	v19 =	vperm.xlane v32, v2;
	v10 =	vmul.f32 v30, v21;
	[tilespmem:s13+$0xA0] =	vst v23;
	s13 =	smov.u32 s14;
	s14 =	smov.u32 s18  }
0x8b: {  	v35 =	vperm.xlane v18, v3;
	v34 =	vperm.xlane v32, v0;
	v30 =	vld [tilespmem:s16+$0x20];
	v36 =	vpop (erf)  }
0x8c: {  	v21 =	vperm.xlane v27, v1;
	v37 =	vld [tilespmem:s15+$0xFFFFFF70];
	[tilespmem:s13+$0x0] =	vst v10;
	v10 =	vperm.xlane v36, v0;
	v38 =	vpop (erf)  }
0x8d: {  	v39 =	vld [tilespmem:s12+$0x10];
	v40 =	vperm.xlane v38, v0;
	v23 =	vperm.xlane v38, v2;
	v41 =	vpop (erf)  }
0x8e: {  	v42 =	vperm.xlane v38, v3;
	v17 =	vld [tilespmem:s15+$0xFFFFFF30];
	v27 =	vperm.xlane v41, v2;
	v43 =	vpop (erf)  }
0x8f: {  	v21 =	vmul.f32 v21, v20;
	v44 =	vld [tilespmem:s15+$0x30];
	v20 =	vperm.xlane v43, v2  }
0x90: {  	v47 =	vperm.xlane v18, v1;
	v46 =	vperm.xlane v41, v0;
	v45 =	vld [tilespmem:s16+$0xFFFFFFF0]  }
0x91: {  	v49 =	vperm.xlane v43, v3;
	v48 =	vld [tilespmem:s16+$0x10];
	[tilespmem:s13+$0xFFFFFF10] =	vst v21;
	v21 =	vmul.f32 v42, v8  }
0x92: {  	v50 =	vperm.xlane v41, v3;
	v42 =	vld [tilespmem:s16+$0x30];
	v8 =	vmul.f32 v47, v39  }
0x93: {  	v35 =	vmul.f32 v35, v7;
	v29 =	vmul.f32 v10, v29;
	v39 =	vld [tilespmem:s15+$0x70]  }
0x94: {  	v51 =	vperm.xlane v36, v1;
	v28 =	vmul.f32 v40, v28;
	v47 =	vld [tilespmem:s16+$0x0];
	v7 =	vmov v44  }
0x95: {  	v24 =	vmul.f32 v34, v24;
	v25 =	vmul.f32 v46, v25;
	v10 =	vld [tilespmem:s15+$0xF0];
	[tilespmem:s13+$0x40] =	vst v29  }
0x96: {  	v34 =	vperm.xlane v43, v0;
	v40 =	vperm.xlane v43, v1;
	v29 =	vld [tilespmem:s16+$0xFFFFFFE0];
	[tilespmem:s13+$0x10] =	vst v8  }
0x97: {  	v18 =	vperm.xlane v18, v2;
	v8 =	vld [tilespmem:s15+$0xB0];
	[tilespmem:s13+$0xFFFFFF80] =	vst v25;
	v25 =	vperm.xlane v38, v1  }
0x98: {  	v16 =	vmul.f32 v34, v16;
	v34 =	vperm.xlane v36, v3;
	[tilespmem:s13+$0xFFFFFF40] =	vst v24;
	v24 =	vld [tilespmem:s12+$0xFFFFFF90]  }
0x99: {  	v12 =	vmul.f32 v26, v12;
	v41 =	vperm.xlane v41, v1;
	v33 =	vadd.f32 v33, v17;
	v38 =	vld [tilespmem:s16+$0xFFFFFFD0];
	[tilespmem:s13+$0x80] =	vst v28  }
0x9a: {  	v34 =	vmul.f32 v34, v6;
	v6 =	vmovc v39;
	v28 =	vmul.f32 v50, v4;
	v4 =	vmov v31;
	v26 =	vld [tilespmem:s12+$0xFFFFFF20];
	[tilespmem:s13+$0xFFFFFFC0] =	vst v16  }
0x9b: {  	v36 =	vperm.xlane v36, v2;
	v31 =	vadd.f32 v47, v7;
	v39 =	vadd.f32 v48, v6;
	v16 =	vld [tilespmem:s15+$0xFFFFFFF0];
	[tilespmem:s13+$0xC0] =	vst v12  }
0x9c: {  	v12 =	vadd.f32 v30, v8;
	[tilespmem:s13+$0xFFFFFF30] =	vst v14;
	v14 =	vperm.xlane v32, v3;
	v30 =	vmul.f32 v49, v9;
	v43 =	vld [tilespmem:s12+$0x90]  }
0x9d: {  	v48 =	vmul.f32 $2.000000030e-01, v33;
	v44 =	vld [tilespmem:s12+$0xFFFFFF50];
	v24 =	vmul.f32 v41, v24  }
0x9e: {  	v42 =	vadd.f32 v42, v10;
	v41 =	vmul.f32 $2.000000030e-01, v39;
	v38 =	vadd.f32 v38, v37;
	v46 =	vld [tilespmem:s12+$0xD0]  }
0x9f: {  	v29 =	vadd.f32 v29, v4;
	v13 =	vmul.f32 v13, v26;
	v26 =	vperm.xlane v32, v1;
	[tilespmem:s13+$0xFFFFFF90] =	vst v24;
	v24 =	vld [tilespmem:s12+$0xFFFFFFD0]  }
0xa0: {  	v14 =	vmul.f32 v14, v5;
	v5 =	vmovc v37;
	v32 =	vmax.f32 v33, v48;
	v33 =	vmul.f32 $2.000000030e-01, v42;
	v47 =	vld [tilespmem:s12+$0x20];
	v9 =	vmovc v16  }
0xa1: {  	v37 =	vmax.f32 v39, v41;
	v16 =	vmul.f32 $1.442695020e+00, v32;
	v32 =	vmul.f32 $2.000000030e-01, v29;
	[tilespmem:s13+$0x30] =	vst v35  }
0xa2: {  	v39 =	vmul.f32 $2.000000030e-01, v31;
	v35 =	vadd.f32 v45, v9;
	[tilespmem:s13+$0xFFFFFF20] =	vst v13;
	v13 =	vmul.f32 v25, v43  }
0xa3: {  	v25 =	vmul.f32 $2.000000030e-01, v38;
	v29 =	vmax.f32 v29, v32;
	(erf) = vpow2.f32 v16;
	v16 =	vld [tilespmem:s12+$0xFFFFFFA0]  }
0xa4: {  	v31 =	vmax.f32 v31, v39;
	v26 =	vmul.f32 v26, v44;
	v32 =	vmul.f32 $2.000000030e-01, v35;
	[tilespmem:s13+$0x90] =	vst v13  }
0xa5: {  	v22 =	vmul.f32 v22, v46;
	v13 =	vmax.f32 v42, v33;
	v24 =	vmul.f32 v40, v24;
	v33 =	vld [tilespmem:s12+$0xA0]  }
0xa6: {  	v31 =	vmul.f32 $1.442695020e+00, v31;
	v32 =	vmax.f32 v35, v32;
	v18 =	vmul.f32 v18, v47;
	[tilespmem:s13+$0xFFFFFF50] =	vst v26;
	v26 =	vld [tilespmem:s12+$0x50]  }
0xa7: {  	v25 =	vmax.f32 v38, v25;
	v35 =	vmul.f32 $1.442695020e+00, v37;
	v13 =	vmul.f32 $1.442695020e+00, v13;
	v37 =	vld [tilespmem:s12+$0xFFFFFF60];
	[tilespmem:s13+$0xFFFFFFB0] =	vst v28  }
0xa8: {  	v28 =	vmul.f32 $1.442695020e+00, v32;
	v32 =	vmul.f32 $2.000000030e-01, v12;
	[tilespmem:s13+$0xFFFFFF70] =	vst v14  }
0xa9: {  	v14 =	vmul.f32 v27, v16;
	(erf) = vpow2.f32 v31;
	[tilespmem:s13+$0xFFFFFFD0] =	vst v24  }
0xaa: {  	(erf) = vpow2.f32 v13;
	v13 =	vld [tilespmem:s12+$0xFFFFFFE0];
	v23 =	vmul.f32 v23, v33;
	[tilespmem:s13+$0xD0] =	vst v22  }
0xab: {  	v16 =	vmul.f32 $1.442695020e+00, v25;
	[tilespmem:s13+$0x20] =	vst v18;
	v18 =	vmul.f32 v51, v26;
	v22 =	vld [tilespmem:s12+$0xE0]  }
0xac: {  	v25 =	vmax.f32 v12, v32;
	v26 =	vmul.f32 $1.442695020e+00, v29;
	v24 =	vld [tilespmem:s15+$0xFFFFFF00];
	v27 =	vpop (erf);
	v29 =	vmul.f32 v19, v37;
	[tilespmem:s13+$0xF0] =	vst v15  }
0xad: {  	v15 =	vperm.xlane v27, v0;
	v12 =	vld [tilespmem:s15+$0xC0];
	(erf) = vpow2.f32 v16;
	[tilespmem:s13+$0x50] =	vst v18  }
0xae: {  	v31 =	vmul.f32 $1.442695020e+00, v25;
	v18 =	vperm.xlane v27, v3;
	v32 =	vld [tilespmem:s12+$0x60];
	[tilespmem:s13+$0xB0] =	vst v21;
	s12 =	smov.u32 s15  }
0xaf: {  	v16 =	vld [tilespmem:s15+$0xFFFFFFC0];
	(erf) = vpow2.f32 v35;
	v19 =	vmul.f32 v20, v13;
	[tilespmem:s13+$0x70] =	vst v34  }
0xb0: {  	v25 =	vld [tilespmem:s15+$0xFFFFFF80];
	(erf) = vpow2.f32 v31;
	[tilespmem:s13+$0xFFFFFFF0] =	vst v30;
	v11 =	vmul.f32 v11, v22  }
.Ltmp0:
0xb1: {  	v15 =	vmul.f32 v15, v24;
	v24 =	vld [tilespmem:s15+$0xFFFFFF40];
	(erf) = vpow2.f32 v26;
	[tilespmem:s13+$0xFFFFFFA0] =	vst v14;
	(pc) =	sbr.rel @p2 .LBB2_3-.Ltmp0, $4  }
0xb2: {  	v14 =	vmul.f32 v18, v17;
	v21 =	vld [tilespmem:s15+$0x0];
	(erf) = vpow2.f32 v28;
	v18 =	vpop (erf);
	[tilespmem:s13+$0xFFFFFF60] =	vst v29  }
0xb3: {  	v13 =	vperm.xlane v27, v2;
	v28 =	vld [tilespmem:s15+$0x80];
	v17 =	vpop (erf);
	v22 =	vmul.f32 v36, v32;
	[tilespmem:s13+$0xE0] =	vst v11  }
0xb4: {  	[tilespmem:s18+$0xFFFFFF00] =	vst v15;
	v29 =	vld [tilespmem:s15+$0x40];
	v26 =	vperm.xlane v17, v0;
	v15 =	vperm.xlane v17, v3  }
0xb5: {  	s16 =	sadd.s32 $0x80, s16;
	v30 =	vperm.xlane v18, v0;
	v11 =	vperm.xlane v17, v2;
	s15 =	sadd.s32 $0x200, s15;
	v20 =	vld [tilespmem:s12+$0xFFFFFF10];
	[tilespmem:s13+$0x60] =	vst v22  }
0xb6: {  	_ = 	snop  }
0xb7: {  	v21 =	vmul.f32 v30, v21;
	_ =	sdelay $0x1  }
0xb8: {  	v22 =	vpop (erf)  }
0xb9: {  	v30 =	vpop (erf)  }
0xba: {  	v27 =	vperm.xlane v27, v1;
	[tilespmem:s14+$0x0] =	vst v21;
	v21 =	vpop (erf)  }
0xbb: {  	v32 =	vpop (erf)  }
0xbc: {  	v20 =	vmul.f32 v27, v20;
	v33 =	vperm.xlane v32, v0  }
0xbd: {  	[tilespmem:s13+$0xFFFFFFE0] =	vst v19;
	v19 =	vperm.xlane v30, v0;
	v31 =	vld [tilespmem:s12+$0x10]  }
0xbe: {  	[tilespmem:s14+$0xFFFFFF10] =	vst v20;
	v20 =	vperm.xlane v22, v0;
	v25 =	vmul.f32 v33, v25  }
0xbf: {  	[tilespmem:s13+$0xA0] =	vst v23;
	v19 =	vmul.f32 v19, v29;
	v27 =	vperm.xlane v21, v0  }
0xc0: {  	v23 =	vperm.xlane v18, v1;
	v29 =	vpop (erf);
	v20 =	vmul.f32 v20, v24;
	[tilespmem:s14+$0xFFFFFF80] =	vst v25  }
0xc1: {  	[tilespmem:s14+$0x40] =	vst v19;
	v19 =	vperm.xlane v29, v0;
	v25 =	vmul.f32 v27, v28;
	v27 =	vld [tilespmem:s12+$0xFFFFFF90]  }
0xc2: {  	v23 =	vmul.f32 v23, v31;
	[tilespmem:s14+$0xFFFFFF40] =	vst v20  }
0xc3: {  	v16 =	vmul.f32 v19, v16;
	v19 =	vld [tilespmem:s12+$0xFFFFFF20];
	[tilespmem:s14+$0x80] =	vst v25  }
0xc4: {  	v12 =	vmul.f32 v26, v12;
	v20 =	vperm.xlane v32, v1;
	[tilespmem:s14+$0x10] =	vst v23;
	v23 =	vld [tilespmem:s12+$0x90]  }
0xc5: {  	v24 =	vperm.xlane v18, v3;
	[tilespmem:s14+$0xFFFFFFC0] =	vst v16;
	v16 =	vld [tilespmem:s12+$0xFFFFFF50]  }
0xc6: {  	[tilespmem:s14+$0xC0] =	vst v12;
	v12 =	vmul.f32 v20, v27  }
0xc7: {  	v7 =	vmul.f32 v24, v7;
	[tilespmem:s14+$0xFFFFFF30] =	vst v14;
	v25 =	vld [tilespmem:s12+$0xD0];
	v20 =	vperm.xlane v21, v1  }
0xc8: {  	v14 =	vld [tilespmem:s12+$0xFFFFFFD0];
	v13 =	vmul.f32 v13, v19;
	v19 =	vperm.xlane v22, v1;
	[tilespmem:s14+$0xFFFFFF90] =	vst v12  }
0xc9: {  	v24 =	vperm.xlane v32, v3;
	v12 =	vld [tilespmem:s12+$0x20];
	[tilespmem:s14+$0x30] =	vst v7;
	v7 =	vmul.f32 v20, v23  }
0xca: {  	v17 =	vperm.xlane v17, v1;
	[tilespmem:s14+$0xFFFFFF20] =	vst v13;
	v13 =	vmul.f32 v19, v16  }
0xcb: {  	v4 =	vmul.f32 v24, v4;
	v20 =	vperm.xlane v22, v3;
	[tilespmem:s14+$0x90] =	vst v7;
	v7 =	vld [tilespmem:s12+$0x50]  }
0xcc: {  	v16 =	vperm.xlane v29, v1;
	v17 =	vmul.f32 v17, v25;
	[tilespmem:s14+$0xFFFFFF50] =	vst v13  }
0xcd: {  	v13 =	vperm.xlane v18, v2;
	v19 =	vld [tilespmem:s12+$0xFFFFFFA0];
	[tilespmem:s14+$0xFFFFFFB0] =	vst v4;
	v5 =	vmul.f32 v20, v5  }
0xce: {  	v14 =	vmul.f32 v16, v14;
	v4 =	vperm.xlane v30, v1;
	[tilespmem:s14+$0xD0] =	vst v17  }
0xcf: {  	v16 =	vld [tilespmem:s12+$0xFFFFFF60];
	[tilespmem:s14+$0xFFFFFF70] =	vst v5;
	v5 =	vmul.f32 v13, v12;
	v12 =	vperm.xlane v21, v3  }
0xd0: {  	[tilespmem:s14+$0xFFFFFFD0] =	vst v14;
	v4 =	vmul.f32 v4, v7;
	v7 =	vmul.f32 v15, v10  }
0xd1: {  	v13 =	vld [tilespmem:s12+$0xA0];
	v10 =	vperm.xlane v30, v3;
	[tilespmem:s14+$0x20] =	vst v5;
	v5 =	vperm.xlane v29, v3  }
0xd2: {  	v8 =	vmul.f32 v12, v8;
	v12 =	vld [tilespmem:s12+$0xE0];
	[tilespmem:s14+$0x50] =	vst v4;
	v4 =	vperm.xlane v32, v2  }
0xd3: {  	v6 =	vmul.f32 v10, v6;
	[tilespmem:s14+$0xF0] =	vst v7;
	v5 =	vmul.f32 v5, v9;
	v9 =	vld [tilespmem:s12+$0xFFFFFFE0]  }
0xd4: {  	v10 =	vperm.xlane v22, v2;
	[tilespmem:s14+$0xB0] =	vst v8;
	v7 =	vld [tilespmem:s12+$0x60]  }
0xd5: {  	v4 =	vmul.f32 v4, v19;
	[tilespmem:s14+$0x70] =	vst v6  }
0xd6: {  	v8 =	vmul.f32 v10, v16;
	[tilespmem:s14+$0xFFFFFFF0] =	vst v5;
	v5 =	vperm.xlane v29, v2  }
0xd7: {  	v6 =	vperm.xlane v30, v2;
	v10 =	vmul.f32 v11, v12;
	[tilespmem:s14+$0xFFFFFFA0] =	vst v4  }
0xd8: {  	v4 =	vperm.xlane v21, v2;
	[tilespmem:s14+$0xFFFFFF60] =	vst v8;
	v5 =	vmul.f32 v5, v9  }
0xd9: {  	[tilespmem:s14+$0xE0] =	vst v10;
	v6 =	vmul.f32 v6, v7  }
0xda: {  	s8 =	sadd.s32 s4, s11;
	v4 =	vmul.f32 v4, v13;
	[tilespmem:s14+$0xFFFFFFE0] =	vst v5  }
0xdb: {  	s8 =	sshrl.u32 s8, $0x3;
	[tilespmem:s14+$0x60] =	vst v6  }
0xdc: {  	s8 =	sadd.s32 s7, s8;
	[tilespmem:s14+$0xA0] =	vst v4  }
0xdd: {  	[tilespmem:s28], [sflag:$0x7] =	stream.linear.gather [hbm4b:s8+s3], $0xC8, $0x38;
	[tilespmem:$0x1CCF0] =	vst v63  }
0xde: {  	_ =	swait.ge [sflag:s19], $0xC8  }
0xdf: {  	[sflag:s19] =	ssyncset.done $0x0  }
0xe0: {  	[sflag:s19] =	ssyncadd.s32 $0xFFFFFF38  }
0xe1: {  	[spmem:s2] =	stream.indirect.scatter.add.f32 [tilespmem:s29], [sflag:$0x5], $0x40, s28, s21, $0xb8;
	[tilespmem:$0x1CCF0] =	vst v63  }
0xe2: {  	_ =	swait.ge [sflag:s30], $0x3200  }
0xe3: {  	[sflag:s30] =	ssyncset.done $0x0  }
0xe4: {  	[sflag:s30] =	ssyncadd.s32 $0xFFFFCE00  }
0xe5: {  	_ =	swait.ge [sflag:s31], $0xC80  }
0xe6: {  	[sflag:s31] =	ssyncset.done $0x0  }
0xe7: {  	s8 =	simm.s32 @!p1 $0x6;
	[sflag:s31] =	ssyncadd.s32 $0xFFFFF380  }
0xe8: {  	p2 =	seq.s32 @!p1 s9, $0x18;
	_ =	swait.ge @!p1 [sflag:s8], $0x3200  }
0xe9: {  	p2 =	por p1, !p2;
	[sflag:s8] =	ssyncset.done @!p1 $0x0  }
0xea: {  	[sflag:s8] =	ssyncadd.s32 @!p1 $0xFFFFCE00;
	s8 =	sadd.s32 @p2 $0xE290, s11  }
0xeb: {  	[tilespmem:s3], [sflag:$0x1] =	stream.indirect.gather @p2 [hbm4b:s5+s21], $0x40, s8, s21, $0xb8;
	[tilespmem:$0x1CCF0] =	vst v63  }
0xec: {  	s15 =	simm.s32 $0x3300;
	s8 =	sadd.s32 @p2 $0x109A0, s11  }
0xed: {  	[tilespmem:s22], [sflag:$0x3] =	stream.indirect.gather @p2 [hbm4b:s6+s21], $0x10, s8, s21, $0xb8;
	[tilespmem:$0x1CCF0] =	vst v63  }
0xee: {  	s16 =	simm.s32 $0x70C0;
	v9 =	vld [tilespmem:s15+$0xFFFFFFB0]  }
0xef: {  	v4 =	vld [tilespmem:s16+$0xFFFFFFC0]  }
0xf0: {  	v5 =	vld [tilespmem:s16+$0x20]  }
0xf1: {  	v11 =	vld [tilespmem:s15+$0xFFFFFF70]  }
0xf2: {  	v6 =	vld [tilespmem:s15+$0xFFFFFF30]  }
0xf3: {  	v8 =	vld [tilespmem:s15+$0x30]  }
0xf4: {  	v10 =	vld [tilespmem:s16+$0x30]  }
0xf5: {  	v12 =	vld [tilespmem:s16+$0x0]  }
0xf6: {  	v14 =	vld [tilespmem:s15+$0xF0]  }
0xf7: {  	v13 =	vld [tilespmem:s16+$0x10]  }
0xf8: {  	v17 =	vld [tilespmem:s15+$0x70];
	v4 =	vadd.f32 v4, v6  }
0xf9: {  	v15 =	vld [tilespmem:s16+$0xFFFFFFD0]  }
0xfa: {  	v7 =	vld [tilespmem:s16+$0xFFFFFFF0];
	v12 =	vadd.f32 v12, v8;
	v18 =	vmul.f32 $2.000000030e-01, v4  }
0xfb: {  	v16 =	vld [tilespmem:s15+$0xFFFFFFF0];
	v10 =	vadd.f32 v10, v14  }
0xfc: {  	v19 =	vld [tilespmem:s15+$0xB0];
	v20 =	vmul.f32 $2.000000030e-01, v12;
	v4 =	vmax.f32 v4, v18  }
0xfd: {  	v21 =	vmul.f32 $2.000000030e-01, v10;
	v18 =	vld [tilespmem:s16+$0xFFFFFFE0];
	v4 =	vmul.f32 $1.442695020e+00, v4  }
0xfe: {  	v13 =	vadd.f32 v13, v17;
	v15 =	vadd.f32 v15, v11  }
0xff: {  	v10 =	vmax.f32 v10, v21;
	(erf) = vpow2.f32 v4;
	v4 =	vmax.f32 v12, v20  }
0x100: {  	v7 =	vadd.f32 v7, v16;
	v10 =	vmul.f32 $1.442695020e+00, v10;
	v4 =	vmul.f32 $1.442695020e+00, v4  }
0x101: {  	v5 =	vadd.f32 v5, v19;
	v12 =	vmul.f32 $2.000000030e-01, v15;
	v20 =	vmul.f32 $2.000000030e-01, v13  }
0x102: {  	v18 =	vadd.f32 v18, v9;
	(erf) = vpow2.f32 v4;
	v4 =	vmul.f32 $2.000000030e-01, v7  }
0x103: {  	v12 =	vmax.f32 v15, v12;
	(erf) = vpow2.f32 v10;
	v10 =	vmul.f32 $2.000000030e-01, v5  }
0x104: {  	v13 =	vmax.f32 v13, v20;
	v12 =	vmul.f32 $1.442695020e+00, v12;
	v15 =	vmul.f32 $2.000000030e-01, v18  }
0x105: {  	v4 =	vmax.f32 v7, v4;
	v7 =	vmul.f32 $1.442695020e+00, v13;
	v5 =	vmax.f32 v5, v10  }
0x106: {  	v13 =	vld [tilespmem:s15+$0xFFFFFF00];
	(erf) = vpow2.f32 v12;
	v5 =	vmul.f32 $1.442695020e+00, v5  }
0x107: {  	v10 =	vmax.f32 v18, v15;
	v4 =	vmul.f32 $1.442695020e+00, v4;
	(erf) = vpow2.f32 v7  }
0x108: {  	v22 =	vld [tilespmem:s15+$0xFFFFFF80];
	v10 =	vmul.f32 $1.442695020e+00, v10;
	v20 =	vpop (erf);
	(erf) = vpow2.f32 v5  }
0x109: {  	v23 =	vld [tilespmem:s15+$0xFFFFFF40];
	v7 =	vperm.xlane v20, v0;
	v5 =	vperm.xlane v20, v3  }
0x10a: {  	v27 =	vld [tilespmem:s15+$0x80];
	(erf) = vpow2.f32 v10;
	v26 =	vperm.xlane v20, v2  }
0x10b: {  	s18 =	simm.s32 $0x7140;
	v28 =	vld [tilespmem:s15+$0x40];
	v20 =	vperm.xlane v20, v1;
	v7 =	vmul.f32 v7, v13  }
0x10c: {  	s12 =	simm.s32 $0xB000;
	v57 =	vld [tilespmem:s18+$0xFFFFFFC0];
	(erf) = vpow2.f32 v4;
	v24 =	vpop (erf);
	v25 =	vmul.f32 v5, v6  }
0x10d: {  	v10 =	vld [tilespmem:s15+$0x0];
	v47 =	vperm.xlane v24, v1;
	v5 =	vpop (erf);
	[tilespmem:s12+$0xFFFFFF00] =	vst v7;
	v7 =	vperm.xlane v24, v0  }
0x10e: {  	v34 =	vld [tilespmem:s18+$0x20];
	v29 =	vperm.xlane v5, v0;
	v6 =	vperm.xlane v5, v3  }
0x10f: {  	v18 =	vld [tilespmem:s15+$0xC0];
	v13 =	vperm.xlane v5, v2;
	v31 =	vperm.xlane v5, v1;
	v56 =	vpop (erf)  }
0x110: {  	v45 =	vld [tilespmem:s18+$0xFFFFFFF0];
	v15 =	vperm.xlane v56, v2;
	v35 =	vperm.xlane v56, v0  }
0x111: {  	v48 =	vld [tilespmem:s18+$0x10];
	v32 =	vperm.xlane v56, v1;
	v12 =	vmul.f32 v6, v14  }
0x112: {  	v58 =	vld [tilespmem:s18+$0x30];
	v36 =	vpop (erf);
	v6 =	vmul.f32 v7, v10;
	v10 =	vperm.xlane v24, v3  }
0x113: {  	v30 =	vld [tilespmem:s15+$0xFFFFFF10];
	v37 =	vperm.xlane v36, v0;
	v52 =	vperm.xlane v36, v1  }
0x114: {  	v59 =	vld [tilespmem:s18+$0x0];
	v18 =	vmul.f32 v29, v18;
	v38 =	vpop (erf);
	v23 =	vmul.f32 v35, v23  }
0x115: {  	v60 =	vld [tilespmem:s18+$0xFFFFFFE0];
	v39 =	vperm.xlane v38, v0;
	v40 =	vperm.xlane v38, v2  }
0x116: {  	s11 =	simm.s32 $0x3500;
	v63 =	vld [tilespmem:s18+$0xFFFFFFD0];
	v43 =	vperm.xlane v38, v3;
	v51 =	vmul.f32 v10, v8  }
0x117: {  	v4 =	vld [tilespmem:s11+$0xFFFFFFB0];
	v41 =	vpop (erf);
	v28 =	vmul.f32 v37, v28;
	v29 =	vperm.xlane v38, v1  }
0x118: {  	v21 =	vld [tilespmem:s15+$0xFFFFFFC0];
	v42 =	vperm.xlane v41, v2;
	v20 =	vmul.f32 v20, v30  }
0x119: {  	v14 =	vld [tilespmem:s11+$0xFFFFFF30];
	v44 =	vpop (erf);
	v46 =	vperm.xlane v41, v0;
	v50 =	vperm.xlane v41, v3  }
0x11a: {  	v5 =	vld [tilespmem:s11+$0xFFFFFF70];
	[tilespmem:s12+$0x0] =	vst v6;
	v41 =	vperm.xlane v41, v1;
	v30 =	vperm.xlane v44, v2  }
0x11b: {  	v7 =	vld [tilespmem:s11+$0x30];
	[tilespmem:s12+$0xC0] =	vst v18;
	v49 =	vperm.xlane v44, v3;
	v19 =	vmul.f32 v43, v19  }
0x11c: {  	v35 =	vadd.f32 v60, v4;
	v10 =	vld [tilespmem:s11+$0xF0];
	[tilespmem:s12+$0xFFFFFF40] =	vst v23;
	v27 =	vmul.f32 v39, v27;
	v61 =	vperm.xlane v44, v1  }
0x11d: {  	v6 =	vld [tilespmem:s15+$0x10];
	[tilespmem:s12+$0x40] =	vst v28;
	v8 =	vmul.f32 v46, v22;
	v22 =	vperm.xlane v44, v0  }
0x11e: {  	v18 =	vld [tilespmem:s15+$0xFFFFFF50];
	[tilespmem:s12+$0xFFFFFF10] =	vst v20;
	v38 =	vmul.f32 v50, v9;
	v28 =	vadd.f32 v57, v14;
	v57 =	vmul.f32 $2.000000030e-01, v35  }
0x11f: {  	v9 =	vld [tilespmem:s11+$0xFFFFFFF0];
	[tilespmem:s12+$0x80] =	vst v27;
	v27 =	vperm.xlane v56, v3;
	v16 =	vmul.f32 v49, v16  }
0x120: {  	v23 =	vadd.f32 v59, v7;
	v62 =	vld [tilespmem:s15+$0xFFFFFF20];
	[tilespmem:s12+$0xFFFFFF30] =	vst v25;
	v21 =	vmul.f32 v22, v21;
	v22 =	vperm.xlane v24, v2  }
0x121: {  	v25 =	vadd.f32 v63, v5;
	[tilespmem:s12+$0xFFFFFF80] =	vst v8;
	v24 =	vperm.xlane v36, v3;
	v36 =	vperm.xlane v36, v2;
	v50 =	vld [tilespmem:s15+$0x90]  }
0x122: {  	v53 =	vmul.f32 $2.000000030e-01, v28;
	v43 =	vadd.f32 v58, v10;
	v58 =	vmul.f32 $2.000000030e-01, v23;
	v20 =	vld [tilespmem:s15+$0xFFFFFF90]  }
0x123: {  	v47 =	vmul.f32 v47, v6;
	v6 =	vld [tilespmem:s11+$0x70];
	v11 =	vmul.f32 v27, v11  }
0x124: {  	v8 =	vld [tilespmem:s11+$0xB0];
	v59 =	vmul.f32 $2.000000030e-01, v25;
	v24 =	vmul.f32 v24, v17;
	[tilespmem:s12+$0xFFFFFFC0] =	vst v21  }
0x125: {  	v21 =	vld [tilespmem:s15+$0xD0];
	v28 =	vmax.f32 v28, v53;
	v56 =	vmul.f32 $2.000000030e-01, v43;
	v18 =	vmul.f32 v32, v18;
	[tilespmem:s12+$0x10] =	vst v47  }
0x126: {  	v23 =	vmax.f32 v23, v58;
	v28 =	vmul.f32 $1.442695020e+00, v28;
	v27 =	vld [tilespmem:s15+$0x20];
	v29 =	vmul.f32 v29, v50  }
0x127: {  	v55 =	vld [tilespmem:s15+$0xFFFFFFD0];
	v23 =	vmul.f32 $1.442695020e+00, v23;
	[tilespmem:s12+$0x30] =	vst v51;
	v20 =	vmul.f32 v41, v20  }
0x128: {  	v25 =	vmax.f32 v25, v59;
	(erf) = vpow2.f32 v28;
	v17 =	vadd.f32 v48, v6;
	[tilespmem:s12+$0x90] =	vst v29  }
0x129: {  	v26 =	vmul.f32 v26, v62;
	(erf) = vpow2.f32 v23;
	[tilespmem:s12+$0xFFFFFF90] =	vst v20;
	v20 =	vadd.f32 v45, v9;
	v29 =	vld [tilespmem:s15+$0xA0]  }
0x12a: {  	[tilespmem:s12+$0xFFFFFF50] =	vst v18;
	v34 =	vadd.f32 v34, v8;
	v21 =	vmul.f32 v31, v21;
	v54 =	vmul.f32 $2.000000030e-01, v17;
	v28 =	vld [tilespmem:s15+$0xFFFFFFA0]  }
0x12b: {  	[tilespmem:s12+$0xFFFFFF20] =	vst v26;
	v31 =	vmax.f32 v43, v56;
	v18 =	vmul.f32 v22, v27;
	v22 =	vld [tilespmem:s15+$0x50];
	v60 =	vmul.f32 $2.000000030e-01, v20  }
0x12c: {  	v62 =	vmul.f32 $2.000000030e-01, v34;
	v26 =	vmul.f32 v61, v55;
	[tilespmem:s12+$0xB0] =	vst v19;
	v17 =	vmax.f32 v17, v54  }
0x12d: {  	[tilespmem:s12+$0xD0] =	vst v21;
	v61 =	vmul.f32 $1.442695020e+00, v17;
	v17 =	vmul.f32 $1.442695020e+00, v31;
	v20 =	vmax.f32 v20, v60  }
0x12e: {  	v21 =	vmul.f32 $1.442695020e+00, v25;
	[tilespmem:s12+$0xFFFFFFD0] =	vst v26;
	v31 =	vld [tilespmem:s15+$0xFFFFFF60];
	v20 =	vmul.f32 $1.442695020e+00, v20  }
0x12f: {  	v25 =	vld [tilespmem:s11+$0xFFFFFF80];
	[tilespmem:s12+$0xFFFFFF70] =	vst v11;
	(erf) = vpow2.f32 v17;
	v23 =	vmul.f32 v40, v29  }
0x130: {  	v26 =	vld [tilespmem:s15+$0xFFFFFFE0];
	[tilespmem:s12+$0x20] =	vst v18;
	v17 =	vmax.f32 v35, v57;
	v11 =	vmul.f32 v42, v28;
	v18 =	vmul.f32 v52, v22  }
0x131: {  	[tilespmem:s12+$0xFFFFFFB0] =	vst v38;
	v22 =	vld [tilespmem:s15+$0xE0];
	v29 =	vmul.f32 $1.442695020e+00, v17;
	v17 =	vmax.f32 v34, v62;
	(erf) = vpow2.f32 v21  }
0x132: {  	v28 =	vld [tilespmem:s11+$0xFFFFFF00];
	v27 =	vpop (erf);
	v21 =	vmul.f32 $1.442695020e+00, v17;
	(erf) = vpow2.f32 v61;
	[tilespmem:s12+$0x50] =	vst v18  }
0x133: {  	[tilespmem:s12+$0xFFFFFFF0] =	vst v16;
	v15 =	vmul.f32 v15, v31;
	v18 =	vperm.xlane v27, v3;
	v63 =	vld [tilespmem:s15+$0x60]  }
0x134: {  	[tilespmem:s12+$0xF0] =	vst v12;
	v12 =	vld [tilespmem:s11+$0xC0];
	v31 =	vperm.xlane v27, v0;
	(erf) = vpow2.f32 v21  }
0x135: {  	v17 =	vld [tilespmem:s11+$0xFFFFFFC0];
	v19 =	vmul.f32 v30, v26;
	[tilespmem:s12+$0xFFFFFFA0] =	vst v11;
	(erf) = vpow2.f32 v29  }
0x136: {  	[tilespmem:s12+$0x70] =	vst v24;
	v24 =	vld [tilespmem:s11+$0xFFFFFF40];
	v14 =	vmul.f32 v18, v14;
	v22 =	vmul.f32 v13, v22  }
0x137: {  	v21 =	vld [tilespmem:s11+$0x0];
	[tilespmem:s12+$0xFFFFFF60] =	vst v15;
	v26 =	vmul.f32 v31, v28;
	(erf) = vpow2.f32 v20;
	v18 =	vpop (erf)  }
0x138: {  	s14 =	simm.s32 $0xB200;
	v29 =	vld [tilespmem:s11+$0x40];
	v13 =	vperm.xlane v27, v2;
	[tilespmem:s12+$0xE0] =	vst v22;
	v16 =	vpop (erf);
	v31 =	vmul.f32 v36, v63  }
0x139: {  	s13 =	simm.s32 $0xB200;
	v28 =	vld [tilespmem:s11+$0x80];
	[tilespmem:s14+$0xFFFFFF00] =	vst v26;
	v30 =	vperm.xlane v18, v0;
	v15 =	vperm.xlane v16, v3  }
0x13a: {  	s8 =	simm.s32 $0x8;
	s16 =	simm.s32 $0x71C0;
	s15 =	simm.s32 $0x3700;
	v20 =	vld [tilespmem:s11+$0xFFFFFF10];
	v26 =	vperm.xlane v16, v0;
	v11 =	vperm.xlane v16, v2;
	[tilespmem:s12+$0x60] =	vst v31  }
.LBB2_5:
0x13b: {  	v31 =	vld [tilespmem:s15+$0xFFFFFFB0];
	s8 =	sadd.s32 $0x8, s8;
	v22 =	vperm.xlane v16, v1;
	v15 =	vmul.f32 v15, v10;
	s14 =	sadd.s32 $0x200, s14;
	v32 =	vpop (erf);
	[tilespmem:s12+$0xFFFFFFE0] =	vst v19  }
0x13c: {  	v33 =	vld [tilespmem:s16+$0xFFFFFFC0];
	p1 =	slt.u32 s8, $0xC0;
	v19 =	vperm.xlane v32, v2;
	v10 =	vmul.f32 v30, v21;
	[tilespmem:s12+$0xA0] =	vst v23;
	s12 =	smov.u32 s13;
	s13 =	smov.u32 s14  }
0x13d: {  	v35 =	vperm.xlane v18, v3;
	v34 =	vperm.xlane v32, v0;
	v30 =	vld [tilespmem:s16+$0x20];
	v36 =	vpop (erf)  }
0x13e: {  	v21 =	vperm.xlane v27, v1;
	v37 =	vld [tilespmem:s15+$0xFFFFFF70];
	[tilespmem:s12+$0x0] =	vst v10;
	v10 =	vperm.xlane v36, v0;
	v38 =	vpop (erf)  }
0x13f: {  	v39 =	vld [tilespmem:s11+$0x10];
	v40 =	vperm.xlane v38, v0;
	v23 =	vperm.xlane v38, v2;
	v41 =	vpop (erf)  }
0x140: {  	v42 =	vperm.xlane v38, v3;
	v16 =	vld [tilespmem:s15+$0xFFFFFF30];
	v27 =	vperm.xlane v41, v2;
	v43 =	vpop (erf)  }
0x141: {  	v21 =	vmul.f32 v21, v20;
	v44 =	vld [tilespmem:s15+$0x30];
	v20 =	vperm.xlane v43, v2  }
0x142: {  	v47 =	vperm.xlane v18, v1;
	v46 =	vperm.xlane v41, v0;
	v45 =	vld [tilespmem:s16+$0xFFFFFFF0]  }
0x143: {  	v49 =	vperm.xlane v43, v3;
	v48 =	vld [tilespmem:s16+$0x10];
	[tilespmem:s12+$0xFFFFFF10] =	vst v21;
	v21 =	vmul.f32 v42, v8  }
0x144: {  	v50 =	vperm.xlane v41, v3;
	v42 =	vld [tilespmem:s16+$0x30];
	v8 =	vmul.f32 v47, v39  }
0x145: {  	v35 =	vmul.f32 v35, v7;
	v29 =	vmul.f32 v10, v29;
	v39 =	vld [tilespmem:s15+$0x70]  }
0x146: {  	v51 =	vperm.xlane v36, v1;
	v28 =	vmul.f32 v40, v28;
	v47 =	vld [tilespmem:s16+$0x0];
	v7 =	vmov v44  }
0x147: {  	v24 =	vmul.f32 v34, v24;
	v25 =	vmul.f32 v46, v25;
	v10 =	vld [tilespmem:s15+$0xF0];
	[tilespmem:s12+$0x40] =	vst v29  }
0x148: {  	v34 =	vperm.xlane v43, v0;
	v40 =	vperm.xlane v43, v1;
	v29 =	vld [tilespmem:s16+$0xFFFFFFE0];
	[tilespmem:s12+$0x10] =	vst v8  }
0x149: {  	v18 =	vperm.xlane v18, v2;
	v8 =	vld [tilespmem:s15+$0xB0];
	[tilespmem:s12+$0xFFFFFF80] =	vst v25;
	v25 =	vperm.xlane v38, v1  }
0x14a: {  	v17 =	vmul.f32 v34, v17;
	v34 =	vperm.xlane v36, v3;
	[tilespmem:s12+$0xFFFFFF40] =	vst v24;
	v24 =	vld [tilespmem:s11+$0xFFFFFF90]  }
0x14b: {  	v12 =	vmul.f32 v26, v12;
	v41 =	vperm.xlane v41, v1;
	v33 =	vadd.f32 v33, v16;
	v38 =	vld [tilespmem:s16+$0xFFFFFFD0];
	[tilespmem:s12+$0x80] =	vst v28  }
0x14c: {  	v34 =	vmul.f32 v34, v6;
	v6 =	vmovc v39;
	v28 =	vmul.f32 v50, v4;
	v4 =	vmov v31;
	v26 =	vld [tilespmem:s11+$0xFFFFFF20];
	[tilespmem:s12+$0xFFFFFFC0] =	vst v17  }
0x14d: {  	v36 =	vperm.xlane v36, v2;
	v31 =	vadd.f32 v47, v7;
	v39 =	vadd.f32 v48, v6;
	v17 =	vld [tilespmem:s15+$0xFFFFFFF0];
	[tilespmem:s12+$0xC0] =	vst v12  }
0x14e: {  	v12 =	vadd.f32 v30, v8;
	[tilespmem:s12+$0xFFFFFF30] =	vst v14;
	v14 =	vperm.xlane v32, v3;
	v30 =	vmul.f32 v49, v9;
	v43 =	vld [tilespmem:s11+$0x90]  }
0x14f: {  	v48 =	vmul.f32 $2.000000030e-01, v33;
	v44 =	vld [tilespmem:s11+$0xFFFFFF50];
	v24 =	vmul.f32 v41, v24  }
0x150: {  	v42 =	vadd.f32 v42, v10;
	v41 =	vmul.f32 $2.000000030e-01, v39;
	v38 =	vadd.f32 v38, v37;
	v46 =	vld [tilespmem:s11+$0xD0]  }
0x151: {  	v29 =	vadd.f32 v29, v4;
	v13 =	vmul.f32 v13, v26;
	v26 =	vperm.xlane v32, v1;
	[tilespmem:s12+$0xFFFFFF90] =	vst v24;
	v24 =	vld [tilespmem:s11+$0xFFFFFFD0]  }
0x152: {  	v14 =	vmul.f32 v14, v5;
	v5 =	vmovc v37;
	v32 =	vmax.f32 v33, v48;
	v33 =	vmul.f32 $2.000000030e-01, v42;
	v47 =	vld [tilespmem:s11+$0x20];
	v9 =	vmovc v17  }
0x153: {  	v37 =	vmax.f32 v39, v41;
	v17 =	vmul.f32 $1.442695020e+00, v32;
	v32 =	vmul.f32 $2.000000030e-01, v29;
	[tilespmem:s12+$0x30] =	vst v35  }
0x154: {  	v39 =	vmul.f32 $2.000000030e-01, v31;
	v35 =	vadd.f32 v45, v9;
	[tilespmem:s12+$0xFFFFFF20] =	vst v13;
	v13 =	vmul.f32 v25, v43  }
0x155: {  	v25 =	vmul.f32 $2.000000030e-01, v38;
	v29 =	vmax.f32 v29, v32;
	(erf) = vpow2.f32 v17;
	v17 =	vld [tilespmem:s11+$0xFFFFFFA0]  }
0x156: {  	v31 =	vmax.f32 v31, v39;
	v26 =	vmul.f32 v26, v44;
	v32 =	vmul.f32 $2.000000030e-01, v35;
	[tilespmem:s12+$0x90] =	vst v13  }
0x157: {  	v22 =	vmul.f32 v22, v46;
	v13 =	vmax.f32 v42, v33;
	v24 =	vmul.f32 v40, v24;
	v33 =	vld [tilespmem:s11+$0xA0]  }
0x158: {  	v31 =	vmul.f32 $1.442695020e+00, v31;
	v32 =	vmax.f32 v35, v32;
	v18 =	vmul.f32 v18, v47;
	[tilespmem:s12+$0xFFFFFF50] =	vst v26;
	v26 =	vld [tilespmem:s11+$0x50]  }
0x159: {  	v25 =	vmax.f32 v38, v25;
	v35 =	vmul.f32 $1.442695020e+00, v37;
	v13 =	vmul.f32 $1.442695020e+00, v13;
	v37 =	vld [tilespmem:s11+$0xFFFFFF60];
	[tilespmem:s12+$0xFFFFFFB0] =	vst v28  }
0x15a: {  	v28 =	vmul.f32 $1.442695020e+00, v32;
	v32 =	vmul.f32 $2.000000030e-01, v12;
	[tilespmem:s12+$0xFFFFFF70] =	vst v14  }
0x15b: {  	v14 =	vmul.f32 v27, v17;
	(erf) = vpow2.f32 v31;
	[tilespmem:s12+$0xFFFFFFD0] =	vst v24  }
0x15c: {  	(erf) = vpow2.f32 v13;
	v13 =	vld [tilespmem:s11+$0xFFFFFFE0];
	v23 =	vmul.f32 v23, v33;
	[tilespmem:s12+$0xD0] =	vst v22  }
0x15d: {  	v17 =	vmul.f32 $1.442695020e+00, v25;
	[tilespmem:s12+$0x20] =	vst v18;
	v18 =	vmul.f32 v51, v26;
	v22 =	vld [tilespmem:s11+$0xE0]  }
0x15e: {  	v25 =	vmax.f32 v12, v32;
	v26 =	vmul.f32 $1.442695020e+00, v29;
	v24 =	vld [tilespmem:s15+$0xFFFFFF00];
	v27 =	vpop (erf);
	v29 =	vmul.f32 v19, v37;
	[tilespmem:s12+$0xF0] =	vst v15  }
0x15f: {  	v15 =	vperm.xlane v27, v0;
	v12 =	vld [tilespmem:s15+$0xC0];
	(erf) = vpow2.f32 v17;
	[tilespmem:s12+$0x50] =	vst v18  }
0x160: {  	v31 =	vmul.f32 $1.442695020e+00, v25;
	v18 =	vperm.xlane v27, v3;
	v32 =	vld [tilespmem:s11+$0x60];
	[tilespmem:s12+$0xB0] =	vst v21;
	s11 =	smov.u32 s15  }
0x161: {  	v17 =	vld [tilespmem:s15+$0xFFFFFFC0];
	(erf) = vpow2.f32 v35;
	v19 =	vmul.f32 v20, v13;
	[tilespmem:s12+$0x70] =	vst v34  }
0x162: {  	v25 =	vld [tilespmem:s15+$0xFFFFFF80];
	(erf) = vpow2.f32 v31;
	[tilespmem:s12+$0xFFFFFFF0] =	vst v30;
	v11 =	vmul.f32 v11, v22  }
.Ltmp1:
0x163: {  	v15 =	vmul.f32 v15, v24;
	v24 =	vld [tilespmem:s15+$0xFFFFFF40];
	(erf) = vpow2.f32 v26;
	[tilespmem:s12+$0xFFFFFFA0] =	vst v14;
	(pc) =	sbr.rel @p1 .LBB2_5-.Ltmp1, $4  }
0x164: {  	v14 =	vmul.f32 v18, v16;
	v21 =	vld [tilespmem:s15+$0x0];
	(erf) = vpow2.f32 v28;
	v18 =	vpop (erf);
	[tilespmem:s12+$0xFFFFFF60] =	vst v29  }
0x165: {  	v13 =	vperm.xlane v27, v2;
	v28 =	vld [tilespmem:s15+$0x80];
	v16 =	vpop (erf);
	v22 =	vmul.f32 v36, v32;
	[tilespmem:s12+$0xE0] =	vst v11  }
0x166: {  	[tilespmem:s14+$0xFFFFFF00] =	vst v15;
	v29 =	vld [tilespmem:s15+$0x40];
	v26 =	vperm.xlane v16, v0;
	v15 =	vperm.xlane v16, v3  }
0x167: {  	s16 =	sadd.s32 $0x80, s16;
	v30 =	vperm.xlane v18, v0;
	v11 =	vperm.xlane v16, v2;
	s15 =	sadd.s32 $0x200, s15;
	v20 =	vld [tilespmem:s11+$0xFFFFFF10];
	[tilespmem:s12+$0x60] =	vst v22  }
0x168: {  	_ = 	snop  }
0x169: {  	v22 =	vpop (erf);
	v12 =	vmul.f32 v26, v12;
	v21 =	vmul.f32 v30, v21  }
0x16a: {  	v27 =	vperm.xlane v27, v1;
	[tilespmem:s12+$0xFFFFFFE0] =	vst v19;
	v30 =	vpop (erf)  }
0x16b: {  	[tilespmem:s13+$0xC0] =	vst v12;
	v58 =	vperm.xlane v30, v0  }
0x16c: {  	[tilespmem:s12+$0xA0] =	vst v23;
	v61 =	vperm.xlane v22, v0;
	v44 =	vld [tilespmem:s11+$0xD0];
	v20 =	vmul.f32 v27, v20  }
0x16d: {  	[tilespmem:s13+$0x0] =	vst v21;
	v21 =	vpop (erf);
	v19 =	vmul.f32 v58, v29  }
0x16e: {  	v31 =	vld [tilespmem:s11+$0x10];
	v32 =	vpop (erf);
	v60 =	vperm.xlane v21, v0;
	[tilespmem:s13+$0xFFFFFF10] =	vst v20;
	v20 =	vmul.f32 v61, v24  }
0x16f: {  	v16 =	vperm.xlane v16, v1;
	v33 =	vperm.xlane v32, v0;
	[tilespmem:s13+$0x40] =	vst v19  }
0x170: {  	v59 =	vperm.xlane v18, v1;
	v62 =	vmul.f32 v60, v28;
	[tilespmem:s13+$0xFFFFFF40] =	vst v20  }
0x171: {  	v16 =	vmul.f32 v16, v44;
	v25 =	vmul.f32 v33, v25;
	v33 =	vld [tilespmem:s11+$0xFFFFFF20];
	[tilespmem:s13+$0xFFFFFF30] =	vst v14  }
0x172: {  	v29 =	vpop (erf);
	[tilespmem:s13+$0x80] =	vst v62  }
0x173: {  	v63 =	vperm.xlane v29, v0;
	v23 =	vmul.f32 v59, v31;
	v37 =	vld [tilespmem:s11+$0xFFFFFF50];
	[tilespmem:s13+$0xD0] =	vst v16  }
0x174: {  	v36 =	vperm.xlane v18, v3;
	v54 =	vmul.f32 v15, v10;
	[tilespmem:s13+$0xFFFFFF80] =	vst v25  }
0x175: {  	v17 =	vmul.f32 v63, v17;
	[tilespmem:s13+$0x10] =	vst v23;
	v31 =	vld [tilespmem:s11+$0xFFFFFF90]  }
0x176: {  	v41 =	vperm.xlane v22, v1;
	v7 =	vmul.f32 v36, v7;
	v57 =	vld [tilespmem:s11+$0xE0];
	[tilespmem:s13+$0xF0] =	vst v54  }
0x177: {  	v46 =	vperm.xlane v22, v3;
	v35 =	vld [tilespmem:s11+$0x90];
	[tilespmem:s13+$0xFFFFFFC0] =	vst v17;
	v13 =	vmul.f32 v13, v33  }
0x178: {  	v34 =	vperm.xlane v32, v1;
	v42 =	vld [tilespmem:s11+$0x20];
	[tilespmem:s13+$0x30] =	vst v7;
	v47 =	vmul.f32 v41, v37  }
0x179: {  	v5 =	vmul.f32 v46, v5;
	v43 =	vperm.xlane v32, v3;
	v40 =	vld [tilespmem:s11+$0xFFFFFFD0];
	[tilespmem:s13+$0xFFFFFF20] =	vst v13  }
0x17a: {  	v39 =	vperm.xlane v21, v1;
	v49 =	vld [tilespmem:s11+$0x50];
	[tilespmem:s13+$0xFFFFFF50] =	vst v47;
	v38 =	vmul.f32 v34, v31  }
0x17b: {  	v51 =	vperm.xlane v18, v2;
	v4 =	vmul.f32 v43, v4;
	v52 =	vld [tilespmem:s11+$0xFFFFFF60];
	[tilespmem:s13+$0xFFFFFF70] =	vst v5  }
0x17c: {  	v48 =	vperm.xlane v29, v1;
	v45 =	vmul.f32 v39, v35;
	[tilespmem:s13+$0xFFFFFF90] =	vst v38  }
0x17d: {  	v5 =	vmul.f32 v51, v42;
	v50 =	vld [tilespmem:s11+$0xFFFFFFA0];
	[tilespmem:s13+$0xFFFFFFB0] =	vst v4;
	v4 =	vperm.xlane v30, v1  }
0x17e: {  	[tilespmem:s13+$0x90] =	vst v45;
	v14 =	vmul.f32 v48, v40  }
0x17f: {  	v53 =	vperm.xlane v21, v3;
	[tilespmem:s13+$0x20] =	vst v5;
	v4 =	vmul.f32 v4, v49  }
0x180: {  	v63 =	vmul.f32 v11, v57;
	v5 =	vperm.xlane v29, v3;
	[tilespmem:s13+$0xFFFFFFD0] =	vst v14  }
0x181: {  	v8 =	vmul.f32 v53, v8;
	v59 =	vperm.xlane v22, v2;
	v60 =	vld [tilespmem:s11+$0xFFFFFFE0];
	[tilespmem:s13+$0x50] =	vst v4  }
0x182: {  	[tilespmem:s13+$0xE0] =	vst v63;
	v5 =	vmul.f32 v5, v9;
	v4 =	vperm.xlane v32, v2;
	v58 =	vld [tilespmem:s11+$0x60]  }
0x183: {  	v55 =	vperm.xlane v30, v3;
	v56 =	vld [tilespmem:s11+$0xA0];
	[tilespmem:s13+$0xB0] =	vst v8;
	v62 =	vmul.f32 v59, v52  }
0x184: {  	[tilespmem:s13+$0xFFFFFFF0] =	vst v5;
	v5 =	vperm.xlane v29, v2;
	v4 =	vmul.f32 v4, v50  }
0x185: {  	v6 =	vmul.f32 v55, v6;
	v61 =	vperm.xlane v30, v2;
	[tilespmem:s13+$0xFFFFFF60] =	vst v62  }
0x186: {  	v5 =	vmul.f32 v5, v60;
	[tilespmem:s13+$0xFFFFFFA0] =	vst v4;
	v4 =	vperm.xlane v21, v2  }
0x187: {  	[tilespmem:s13+$0x70] =	vst v6;
	v6 =	vmul.f32 v61, v58  }
0x188: {  	s8 =	sadd.s32 s4, s10;
	[tilespmem:s13+$0xFFFFFFE0] =	vst v5;
	v4 =	vmul.f32 v4, v56  }
0x189: {  	s9 =	sadd.s32 $0x1, s9;
	s8 =	sshrl.u32 s8, $0x3;
	[tilespmem:s13+$0x60] =	vst v6  }
0x18a: {  	p1 =	sne.s32 s9, $0x19;
	s8 =	sadd.s32 s7, s8;
	[tilespmem:s13+$0xA0] =	vst v4  }
0x18b: {  	[tilespmem:s1], [sflag:$0x7] =	stream.linear.gather [hbm4b:s8+s3], $0xC8, $0x38;
	[tilespmem:$0x1CCF0] =	vst v63  }
.Ltmp2:
0x18c: {  	_ = 	snop;
	(pc) =	sbr.rel @p1 .LBB2_2-.Ltmp2, $4  }
0x18d: {  	_ =	swait.ge [sflag:s19], $0xC8  }
0x18e: {  	[sflag:s19] =	ssyncset.done $0x0  }
0x18f: {  	[sflag:s19] =	ssyncadd.s32 $0xFFFFFF38  }
0x190: {  	[spmem:s2] =	stream.indirect.scatter.add.f32 [tilespmem:s0], [sflag:$0x6], $0x40, s1, s21, $0xb8;
	[tilespmem:$0x1CCF0] =	vst v63  }
0x191: {  	s8 =	simm.s32 $0x5  }
0x192: {  	_ =	swait.ge [sflag:s8], $0x3200  }
0x193: {  	[sflag:s8] =	ssyncset.done $0x0  }
0x194: {  	s16 =	simm.s32 $0x6;
	[sflag:s8] =	ssyncadd.s32 $0xFFFFCE00  }
0x195: {  	_ =	swait.ge [sflag:s16], $0x3200  }
0x196: {  	[sflag:s16] =	ssyncset.done $0x0  }
0x197: {  	[sflag:s16] =	ssyncadd.s32 $0xFFFFCE00  }
0x198: {  	[bflag:$0x0] =	sbarrier.arrive $0xFFFF  }
0x199: {  	s8 =	simm.s32 @p0 $0x1FC7;
	s9 =	rddreg [dreg:$0x8]  }
0x19a: {  	[hbm:s9], [sflag:s8] =	dma.local @p0 [spmem:s17], $0xC80  }
0x19b: {  	s8 =	simm.s32 @p0 $0x7  }
0x19c: {  	_ =	swait.ge @p0 [sflag:s8], $0xC80  }
0x19d: {  	s11 =	rddreg [dreg:$0xa]  }
0x19e: {  	[sflag:s8] =	ssyncset.done @p0 $0x0;
	s12 =	rddreg [dreg:$0xb]  }
0x19f: {  	[sflag:s8] =	ssyncadd.s32 @p0 $0xFFFFF380;
	s8 =	rddreg [dreg:$0x7]  }
0x1a0: {  	[hbm:s8], [sflag:s11] =	dma.local @!p0 [spmem:s12], $0x1400  }
0x1a1: {  	s8 =	simm.s32 @!p0 $0x7  }
0x1a2: {  	_ =	swait.ge @!p0 [sflag:s8], $0x1400  }
0x1a3: {  	s20 =	sadd.s32 $0x1, s20;
	s18 =	rddreg [dreg:$0x9]  }
0x1a4: {  	p1 =	sne.s32 s20, s18  }
.Ltmp3:
0x1a5: {  	_ = 	snop;
	(pc) =	sbr.rel @p1 .LBB2_1-.Ltmp3, $3  }
0x1a6: {  	_ =	sdelay $0x1  }
0x1a7: {  	[sflag:s8] =	ssyncset.done @!p0 $0x0  }
0x1a8: {  	s10 =	smov.u32 s17;
	[sflag:s8] =	ssyncadd.s32 @!p0 $0xFFFFEC00  }
0x1a9: {  	_ =	sfence.sel $0x180000  }
0x1aa: {  	[bflag:$0x0] =	sbarrier.arrive $0xFFFF  }
0x1ab: {  	_ =	strace $0x90000047  }
0x1ac: {  	s0 =	stileid.u32;
	[bflag:$0x2] =	sbarrier.arrive $0xFFFF  }
0x1ad: {  	p0 =	sne.s32 s0, $0x0;
	s0 =	rddreg [dreg:$0x2]  }
0x1ae: {  	s0 =	sadd.s32 @!p0 $0x100000, s0  }
0x1af: {  	[sflag:s0] =	ssyncadd.tile.s32 @!p0 $0x1;
	_ =	shalt  }
.Lfunc_end2:
_tile_overlayer_lowered:
.L_overlay_start_2:
0x1b0: {  	(tag) =	ssettag $0x2  }
0x1b1: {  	s0 =	rddreg [dreg:$0x0];
	s2 =	stileid.u32  }
0x1b2: {  	s1 =	rddreg [dreg:$0x1];
	p0 =	sne.s32 s2, $0x0  }
0x1b3: {  	s3 =	rddreg [dreg:$0x2];
	[bflag:$0x3] =	sbarrier.arrive $0xFFFF;
	s2 =	simm.s32 @!p0 $0x1C07  }
0x1b4: {  	[timem:s3], [sflag:s2] =	dma.local @!p0 [hbm:s0], s1  }
0x1b5: {  	s0 =	simm.s32 @!p0 $0x7  }
0x1b6: {  	_ =	swait.ge @!p0 [sflag:s0], s1  }
0x1b7: {  	s1 =	ssub.s32 @!p0 $0x0, s1;
	[sflag:s0] =	ssyncset.done @!p0 $0x0  }
0x1b8: {  	[sflag:s0] =	ssyncadd.s32 @!p0 s1  }
0x1b9: {  	[bflag:$0x3] =	sbarrier.arrive $0xFFFF  }
0x1ba: {  	_ =	shalt  }

</sc_bundles>
